<compile_context>
chip_gen: v7x
topology: tpu7x:2x2x1
jax: 0.10.2.dev20260603
libtpu: 0.0.44.dev20260713+nightly
codegen_flags: <defaults>
</compile_context>

<pallas_src>
import functools

import jax
import jax.numpy as jnp
from jax import lax
from jax.experimental import pallas as pl
from jax.experimental.pallas import tpu as pltpu
from jax.experimental.pallas import tpu_sc as plsc

E = 8
K = 2
D = 768
DFF = 768
T = 2048
P = K * T
TMG = 256
G = 23
GP = 24
RS = G * TMG

NC = 2
NS = 16
NW = NC * NS
PPW = P // NW
TPW = T // NW
WW = 128




def _router_kernel(x_ref, rw_ref, p_ref, w_ref, est_ref):
    lg = lax.dot_general(rw_ref[...], x_ref[...], (((1,), (1,)), ((), ())),
                         preferred_element_type=jnp.float32)
    row = lax.broadcasted_iota(jnp.int32, (E, T), 0)
    l1 = jnp.max(lg, axis=0, keepdims=True)
    e1 = jnp.min(jnp.where(lg == l1, row, E), axis=0, keepdims=True)
    masked = jnp.where(row == e1, -jnp.inf, lg)
    l2 = jnp.max(masked, axis=0, keepdims=True)
    e2 = jnp.min(jnp.where(masked == l2, row, E), axis=0, keepdims=True)
    z = jnp.exp(l2 - l1)
    w1 = 1.0 / (1.0 + z)
    w2 = 1.0 - w1

    e_all = jnp.concatenate([e1, e2], axis=1)
    w_ref[...] = jnp.concatenate([w1, w2], axis=1)
    onehot = (e_all == lax.broadcasted_iota(jnp.int32, (E, P), 0)
              ).astype(jnp.float32)

    C = 1024
    rr = lax.broadcasted_iota(jnp.int32, (C, C), 0)
    cc = lax.broadcasted_iota(jnp.int32, (C, C), 1)
    triu = (rr < cc).astype(jnp.float32)
    base = jnp.zeros((E, 1), jnp.float32)
    rank_parts = []
    for c in range(P // C):
        oh = onehot[:, c * C:(c + 1) * C]
        r = lax.dot_general(oh, triu, (((1,), (0,)), ((), ())),
                            preferred_element_type=jnp.float32) + base
        rank_parts.append(jnp.sum(r * oh, axis=0, keepdims=True))
        base = base + jnp.sum(oh, axis=1, keepdims=True)
    rank_sel = jnp.concatenate(rank_parts, axis=1)

    counts = base
    tiles = jnp.floor((counts + (TMG - 1)) / TMG)
    tril = (lax.broadcasted_iota(jnp.int32, (E, E), 0)
            > lax.broadcasted_iota(jnp.int32, (E, E), 1)).astype(jnp.float32)
    start = lax.dot_general(tril, tiles, (((1,), (0,)), ((), ())),
                            preferred_element_type=jnp.float32)
    offp = start * TMG
    off_sel = jnp.sum(onehot * offp, axis=0, keepdims=True)
    p_ref[...] = (off_sel + rank_sel).astype(jnp.int32)
    s_cols = lax.broadcasted_iota(jnp.int32, (E, GP), 1).astype(jnp.float32)
    est_ref[0:1, :] = (jnp.sum((start <= s_cols).astype(jnp.int32), axis=0,
                               keepdims=True) - 1).astype(jnp.int32)
    total = jnp.sum(tiles, axis=0, keepdims=True)
    est_ref[1:2, :] = (s_cols[0:1, :] < total).astype(jnp.int32)


def _router(x, router_w):
    return pl.pallas_call(
        _router_kernel,
        out_shape=(
            jax.ShapeDtypeStruct((1, P), jnp.int32),
            jax.ShapeDtypeStruct((1, P), jnp.float32),
            jax.ShapeDtypeStruct((2, GP), jnp.int32),
        ),
    )(x, router_w)



@functools.cache
def _sc_mesh():
    return plsc.VectorSubcoreMesh(core_axis_name="c", subcore_axis_name="s",
                                  num_cores=NC, num_subcores=NS)


def _sc_dispatch_body(x_hbm, p_hbm, w_hbm, xs_hbm, ws_hbm,
                      idx_v, rows_v, wrows_v, sem):
    wid = lax.axis_index("s") * NC + lax.axis_index("c")
    base = wid * PPW
    t0 = base % T
    pltpu.sync_copy(p_hbm.at[pl.ds(base, PPW)], idx_v)
    pltpu.sync_copy(x_hbm.at[pl.ds(t0, PPW)], rows_v)
    pltpu.sync_copy(w_hbm.at[pl.ds(base, PPW)], wrows_v)
    cpx = pltpu.async_copy(rows_v, xs_hbm.at[idx_v], sem)
    cpw = pltpu.async_copy(wrows_v, ws_hbm.at[idx_v], sem)
    cpx.wait()
    cpw.wait()


def _sc_dispatch(x, p_all, w_exp):
    return pl.kernel(
        _sc_dispatch_body,
        out_type=(
            jax.ShapeDtypeStruct((RS, D), jnp.float32),
            jax.ShapeDtypeStruct((RS, WW), jnp.float32),
        ),
        mesh=_sc_mesh(),
        scratch_types=[
            pltpu.VMEM((PPW,), jnp.int32),
            pltpu.VMEM((PPW, D), jnp.float32),
            pltpu.VMEM((PPW, WW), jnp.float32),
            pltpu.SemaphoreType.DMA,
        ],
    )(x, p_all, w_exp)




def _gemm_kernel(est_ref, xs_ref, ws_ref, wg_ref, wu_ref, wd_ref, o_ref):
    @pl.when(est_ref[1, pl.program_id(0)] == 1)
    def _active():
        xs = xs_ref[...]
        g = lax.dot_general(xs, wg_ref[0], (((1,), (1,)), ((), ())),
                            preferred_element_type=jnp.float32)
        u = lax.dot_general(xs, wu_ref[0], (((1,), (1,)), ((), ())),
                            preferred_element_type=jnp.float32)
        h = g * jax.nn.sigmoid(g) * u
        o = lax.dot_general(h, wd_ref[0], (((1,), (1,)), ((), ())),
                            preferred_element_type=jnp.float32)
        o_ref[...] = o * ws_ref[:, 0:1]


def _gemm(est, xs, ws, w_gate, w_up, w_down):
    grid_spec = pltpu.PrefetchScalarGridSpec(
        num_scalar_prefetch=1,
        grid=(G,),
        in_specs=[
            pl.BlockSpec((TMG, D), lambda s, est: (s, 0)),
            pl.BlockSpec((TMG, WW), lambda s, est: (s, 0)),
            pl.BlockSpec((1, DFF, D), lambda s, est: (est[0, s], 0, 0)),
            pl.BlockSpec((1, DFF, D), lambda s, est: (est[0, s], 0, 0)),
            pl.BlockSpec((1, D, DFF), lambda s, est: (est[0, s], 0, 0)),
        ],
        out_specs=pl.BlockSpec((TMG, D), lambda s, est: (s, 0)),
    )
    return pl.pallas_call(
        _gemm_kernel,
        grid_spec=grid_spec,
        out_shape=jax.ShapeDtypeStruct((RS, D), jnp.float32),
        compiler_params=pltpu.CompilerParams(
            dimension_semantics=("arbitrary",),
        ),
    )(est, xs, ws, w_gate, w_up, w_down)




def _sc_combine_body(o_hbm, p_hbm, y_hbm, p0_v, p1_v, r0_v, r1_v, sem):
    wid = lax.axis_index("s") * NC + lax.axis_index("c")
    t0 = wid * TPW
    pltpu.sync_copy(p_hbm.at[pl.ds(t0, TPW)], p0_v)
    pltpu.sync_copy(p_hbm.at[pl.ds(T + t0, TPW)], p1_v)
    cp0 = pltpu.async_copy(o_hbm.at[p0_v], r0_v, sem)
    cp1 = pltpu.async_copy(o_hbm.at[p1_v], r1_v, sem)
    cp0.wait()
    cp1.wait()

    def row(i, _):
        for c in range(D // 16):
            sl = pl.ds(c * 16, 16)
            r0_v[i, sl] += r1_v[i, sl]
        return 0

    lax.fori_loop(0, TPW, row, 0)
    pltpu.sync_copy(r0_v, y_hbm.at[pl.ds(t0, TPW)])


def _sc_combine(o_sorted, p_all):
    return pl.kernel(
        _sc_combine_body,
        out_type=jax.ShapeDtypeStruct((T, D), jnp.float32),
        mesh=_sc_mesh(),
        scratch_types=[
            pltpu.VMEM((TPW,), jnp.int32),
            pltpu.VMEM((TPW,), jnp.int32),
            pltpu.VMEM((TPW, D), jnp.float32),
            pltpu.VMEM((TPW, D), jnp.float32),
            pltpu.SemaphoreType.DMA,
        ],
    )(o_sorted, p_all)




def kernel(hidden_states, router_w, w_gate, w_up, w_down):
    orig_shape = hidden_states.shape
    x = hidden_states.reshape(-1, orig_shape[-1])
    p2, w_row, est = _router(x, router_w)
    p_all = p2.reshape(P)
    w_exp = jnp.broadcast_to(w_row.reshape(P, 1), (P, WW))
    xs, ws = _sc_dispatch(x, p_all, w_exp)
    o_sorted = _gemm(est, xs, ws, w_gate, w_up, w_down)
    y = _sc_combine(o_sorted, p_all)
    return y.reshape(orig_shape)

# --- scband reference (transcript-rebuilt; emitter-appended) ---
"""Pipeline reference for scband-hfprefix-mlp-86371792322896 (READ-ONLY COPY).

The authoritative reference and input builder live on the scoring server;
editing this copy changes nothing except your own understanding.
"""

import jax, jax.numpy as jnp
import numpy as np

E = 8          # num_experts
K = 2          # num_experts_per_tok
D = 768        # hidden_size
DFF = 768      # intermediate_size
B = 1
S = 2048


def setup_inputs(seed: int = 0) -> dict:
    key = jax.random.key(seed)
    ks = jax.random.split(key, 5)
    hidden_states = jax.random.normal(ks[0], (B, S, D), dtype=jnp.float32)
    router_w = jax.random.normal(ks[1], (E, D), dtype=jnp.float32) * 0.02
    w_gate = jax.random.normal(ks[2], (E, DFF, D), dtype=jnp.float32) * 0.02
    w_up = jax.random.normal(ks[3], (E, DFF, D), dtype=jnp.float32) * 0.02
    w_down = jax.random.normal(ks[4], (E, D, DFF), dtype=jnp.float32) * 0.02
    return {
        "hidden_states": hidden_states,
        "router_w": router_w,
        "w_gate": w_gate,
        "w_up": w_up,
        "w_down": w_down,
    }


def reference(hidden_states, router_w, w_gate, w_up, w_down):
    """Faithful HFPrefixMLP forward (ep_size=1 reference path).

    Router: post-softmax top-k with norm_topk_prob; experts: SwiGLU MLP.
    Dense all-expert compute + sparse combine weights is mathematically
    identical to the grouped-GEMM dispatch (non-selected experts get
    combine weight exactly 0).
    """
    orig_shape = hidden_states.shape
    x = hidden_states.reshape(-1, orig_shape[-1])            # [T, D]
    # router.compute
    logits = x @ router_w.T                                   # [T, E]
    scores = jax.nn.softmax(logits, axis=-1)
    topk_weight, topk_idx = jax.lax.top_k(scores, K)          # [T, K]
    topk_weight = topk_weight / jnp.sum(topk_weight, axis=-1, keepdims=True)
    # combine weights [T, E]: scatter of topk weights (one-hot dispatch)
    combine = jnp.sum(
        jax.nn.one_hot(topk_idx, E, dtype=topk_weight.dtype) * topk_weight[..., None],
        axis=1,
    )
    # experts (grouped SwiGLU MLP, expressed densely over experts)
    g = jnp.einsum('td,efd->tef', x, w_gate)                  # [T, E, DFF]
    u = jnp.einsum('td,efd->tef', x, w_up)
    h = jax.nn.silu(g) * u
    o = jnp.einsum('tef,edf->ted', h, w_down)                 # [T, E, D]
    y = jnp.einsum('te,ted->td', combine, o)                  # weighted sum over top-k experts
    return y.reshape(orig_shape)

if __name__ == "__main__":
    import jax
    _d = setup_inputs()
    print(jax.jit(kernel)(*tuple(_d.values())))

</pallas_src>

<mosaic_0001>
#map = affine_map<(d0, d1) -> (0, 0)>
#map1 = affine_map<(d0, d1) -> (0)>
module attributes {stable_mosaic.version = 14 : i64} {
  func.func @_sc_dispatch_body(%arg0: i32, %arg1: i32, %arg2: memref<2048x768xf32, #tpu.memory_space<hbm>>, %arg3: memref<4096xi32, #tpu.memory_space<hbm>>, %arg4: memref<4096x128xf32, #tpu.memory_space<hbm>>, %arg5: memref<5888x768xf32, #tpu.memory_space<hbm>>, %arg6: memref<5888x128xf32, #tpu.memory_space<hbm>>, %arg7: memref<128xi32, #tpu.memory_space<vmem>>, %arg8: memref<128x768xf32, #tpu.memory_space<vmem>>, %arg9: memref<128x128xf32, #tpu.memory_space<vmem>>, %arg10: memref<!tpu.dma_semaphore, #tpu.memory_space<semaphore_mem>>) attributes {dimension_semantics = [#tpu.dimension_semantics<core_parallel>, #tpu.dimension_semantics<subcore_parallel>], iteration_bounds = array<i64: 2, 16>, scalar_prefetch = 0 : i64, scratch_operands = 4 : i64, tpu.core_type = #tpu.core_type<sc_vector_subcore>, window_params = [{transform_indices = #map}, {transform_indices = #map1}, {transform_indices = #map}, {transform_indices = #map}, {transform_indices = #map}]} {
    %mul3A = arith.constant 2 : i32
    %mul3A_0 = arith.muli %arg1, %mul3A : i32
    %add3A = arith.addi %mul3A_0, %arg0 : i32
    %mul3A_1 = arith.constant 128 : i32
    %mul3A_2 = arith.muli %add3A, %mul3A_1 : i32
    %jit3A = arith.constant 2048 : i32
    %eq3A = arith.constant 0 : i32
    %eq3A_3 = arith.cmpi eq, %jit3A, %eq3A : i32
    %jit3A_4 = arith.constant 1 : i32
    %select_n3A = arith.select %eq3A_3, %jit3A_4, %jit3A : i32
    %rem3A = arith.remsi %mul3A_2, %select_n3A : i32
    %ne3A = arith.constant 0 : i32
    %ne3A_5 = arith.cmpi ne, %rem3A, %ne3A : i32
    %lt3A = arith.constant 0 : i32
    %lt3A_6 = arith.cmpi slt, %rem3A, %lt3A : i32
    %lt3A_7 = arith.constant 0 : i32
    %lt3A_8 = arith.cmpi slt, %select_n3A, %lt3A_7 : i32
    %ne3A_9 = arith.xori %lt3A_6, %lt3A_8 : i1
    %and3A = arith.andi %ne3A_9, %ne3A_5 : i1
    %add3A_10 = arith.addi %rem3A, %select_n3A : i32
    %select_n3A_11 = arith.select %and3A, %add3A_10, %rem3A : i32
    "tpu.region"() ({
      %run_scoped3A = tpu.sem_alloc : memref<!tpu.dma_semaphore, #tpu.memory_space<semaphore_mem>>
      %dma_start3A_22 = tpu.memref_slice %arg3[%mul3A_2] : memref<4096xi32, #tpu.memory_space<hbm>> -> memref<128xi32, #tpu.memory_space<hbm>>
      %dma_start3A_23 = tpu.memref_slice %arg3[%mul3A_2] : memref<4096xi32, #tpu.memory_space<hbm>> -> memref<128xi32, #tpu.memory_space<hbm>>
      tpu.enqueue_dma source(%dma_start3A_23 : memref<128xi32, #tpu.memory_space<hbm>>) target(%arg7 : memref<128xi32, #tpu.memory_space<vmem>>) target_semaphore(%run_scoped3A : memref<!tpu.dma_semaphore, #tpu.memory_space<semaphore_mem>>)
      %dma_wait3A_24 = tpu.memref_slice %arg3[%mul3A_2] : memref<4096xi32, #tpu.memory_space<hbm>> -> memref<128xi32, #tpu.memory_space<hbm>>
      %dma_wait3A_25 = tpu.memref_slice %arg3[%mul3A_2] : memref<4096xi32, #tpu.memory_space<hbm>> -> memref<128xi32, #tpu.memory_space<hbm>>
      tpu.wait_dma2 semaphore(%run_scoped3A : memref<!tpu.dma_semaphore, #tpu.memory_space<semaphore_mem>>) src(%dma_wait3A_25 : memref<128xi32, #tpu.memory_space<hbm>>) dst(%arg7 : memref<128xi32, #tpu.memory_space<vmem>>)
      tpu.yield
    }) : () -> ()
    "tpu.region"() ({
      %run_scoped3A = tpu.sem_alloc : memref<!tpu.dma_semaphore, #tpu.memory_space<semaphore_mem>>
      %dma_start3A_22 = arith.constant 0 : i32
      %dma_start3A_23 = tpu.memref_slice %arg2[%select_n3A_11, %dma_start3A_22] : memref<2048x768xf32, #tpu.memory_space<hbm>> -> memref<128x768xf32, #tpu.memory_space<hbm>>
      %dma_start3A_24 = arith.constant 0 : i32
      %dma_start3A_25 = tpu.memref_slice %arg2[%select_n3A_11, %dma_start3A_24] : memref<2048x768xf32, #tpu.memory_space<hbm>> -> memref<128x768xf32, #tpu.memory_space<hbm>>
      tpu.enqueue_dma source(%dma_start3A_25 : memref<128x768xf32, #tpu.memory_space<hbm>>) target(%arg8 : memref<128x768xf32, #tpu.memory_space<vmem>>) target_semaphore(%run_scoped3A : memref<!tpu.dma_semaphore, #tpu.memory_space<semaphore_mem>>)
      %dma_wait3A_26 = arith.constant 0 : i32
      %dma_wait3A_27 = tpu.memref_slice %arg2[%select_n3A_11, %dma_wait3A_26] : memref<2048x768xf32, #tpu.memory_space<hbm>> -> memref<128x768xf32, #tpu.memory_space<hbm>>
      %dma_wait3A_28 = arith.constant 0 : i32
      %dma_wait3A_29 = tpu.memref_slice %arg2[%select_n3A_11, %dma_wait3A_28] : memref<2048x768xf32, #tpu.memory_space<hbm>> -> memref<128x768xf32, #tpu.memory_space<hbm>>
      tpu.wait_dma2 semaphore(%run_scoped3A : memref<!tpu.dma_semaphore, #tpu.memory_space<semaphore_mem>>) src(%dma_wait3A_29 : memref<128x768xf32, #tpu.memory_space<hbm>>) dst(%arg8 : memref<128x768xf32, #tpu.memory_space<vmem>>)
      tpu.yield
    }) : () -> ()
    "tpu.region"() ({
      %run_scoped3A = tpu.sem_alloc : memref<!tpu.dma_semaphore, #tpu.memory_space<semaphore_mem>>
      %dma_start3A_22 = arith.constant 0 : i32
      %dma_start3A_23 = tpu.memref_slice %arg4[%mul3A_2, %dma_start3A_22] : memref<4096x128xf32, #tpu.memory_space<hbm>> -> memref<128x128xf32, #tpu.memory_space<hbm>>
      %dma_start3A_24 = arith.constant 0 : i32
      %dma_start3A_25 = tpu.memref_slice %arg4[%mul3A_2, %dma_start3A_24] : memref<4096x128xf32, #tpu.memory_space<hbm>> -> memref<128x128xf32, #tpu.memory_space<hbm>>
      tpu.enqueue_dma source(%dma_start3A_25 : memref<128x128xf32, #tpu.memory_space<hbm>>) target(%arg9 : memref<128x128xf32, #tpu.memory_space<vmem>>) target_semaphore(%run_scoped3A : memref<!tpu.dma_semaphore, #tpu.memory_space<semaphore_mem>>)
      %dma_wait3A_26 = arith.constant 0 : i32
      %dma_wait3A_27 = tpu.memref_slice %arg4[%mul3A_2, %dma_wait3A_26] : memref<4096x128xf32, #tpu.memory_space<hbm>> -> memref<128x128xf32, #tpu.memory_space<hbm>>
      %dma_wait3A_28 = arith.constant 0 : i32
      %dma_wait3A_29 = tpu.memref_slice %arg4[%mul3A_2, %dma_wait3A_28] : memref<4096x128xf32, #tpu.memory_space<hbm>> -> memref<128x128xf32, #tpu.memory_space<hbm>>
      tpu.wait_dma2 semaphore(%run_scoped3A : memref<!tpu.dma_semaphore, #tpu.memory_space<semaphore_mem>>) src(%dma_wait3A_29 : memref<128x128xf32, #tpu.memory_space<hbm>>) dst(%arg9 : memref<128x128xf32, #tpu.memory_space<vmem>>)
      tpu.yield
    }) : () -> ()
    %dma_start3A = arith.constant 0 : i32
    %dma_start3A_12 = arith.constant 0 : i32
    %dma_start3A_13 = tpu.memref_slice %arg5[%dma_start3A, %dma_start3A_12] : memref<5888x768xf32, #tpu.memory_space<hbm>> -> memref<5888x768xf32, #tpu.memory_space<hbm>>
    tpu.enqueue_indirect_dma source(%arg8 : memref<128x768xf32, #tpu.memory_space<vmem>>) target(%dma_start3A_13 : memref<5888x768xf32, #tpu.memory_space<hbm>>) offsets(%arg7 : memref<128xi32, #tpu.memory_space<vmem>>) semaphore(%arg10 : memref<!tpu.dma_semaphore, #tpu.memory_space<semaphore_mem>>)
    %dma_start3A_14 = arith.constant 0 : i32
    %dma_start3A_15 = arith.constant 0 : i32
    %dma_start3A_16 = tpu.memref_slice %arg6[%dma_start3A_14, %dma_start3A_15] : memref<5888x128xf32, #tpu.memory_space<hbm>> -> memref<5888x128xf32, #tpu.memory_space<hbm>>
    tpu.enqueue_indirect_dma source(%arg9 : memref<128x128xf32, #tpu.memory_space<vmem>>) target(%dma_start3A_16 : memref<5888x128xf32, #tpu.memory_space<hbm>>) offsets(%arg7 : memref<128xi32, #tpu.memory_space<vmem>>) semaphore(%arg10 : memref<!tpu.dma_semaphore, #tpu.memory_space<semaphore_mem>>)
    %dma_wait3A = arith.constant 0 : i32
    %dma_wait3A_17 = arith.constant 0 : i32
    %dma_wait3A_18 = tpu.memref_slice %arg5[%dma_wait3A, %dma_wait3A_17] : memref<5888x768xf32, #tpu.memory_space<hbm>> -> memref<5888x768xf32, #tpu.memory_space<hbm>>
    tpu.wait_indirect_dma semaphore(%arg10 : memref<!tpu.dma_semaphore, #tpu.memory_space<semaphore_mem>>) src(%arg8 : memref<128x768xf32, #tpu.memory_space<vmem>>) dst(%dma_wait3A_18 : memref<5888x768xf32, #tpu.memory_space<hbm>>)
    %dma_wait3A_19 = arith.constant 0 : i32
    %dma_wait3A_20 = arith.constant 0 : i32
    %dma_wait3A_21 = tpu.memref_slice %arg6[%dma_wait3A_19, %dma_wait3A_20] : memref<5888x128xf32, #tpu.memory_space<hbm>> -> memref<5888x128xf32, #tpu.memory_space<hbm>>
    tpu.wait_indirect_dma semaphore(%arg10 : memref<!tpu.dma_semaphore, #tpu.memory_space<semaphore_mem>>) src(%arg9 : memref<128x128xf32, #tpu.memory_space<vmem>>) dst(%dma_wait3A_21 : memref<5888x128xf32, #tpu.memory_space<hbm>>)
    return
  }
}

#map = affine_map<(d0, d1) -> (0, 0)>
#map1 = affine_map<(d0, d1) -> (0)>
module attributes {stable_mosaic.version = 14 : i64} {
  func.func @_sc_combine_body(%arg0: i32, %arg1: i32, %arg2: memref<5888x768xf32, #tpu.memory_space<hbm>>, %arg3: memref<4096xi32, #tpu.memory_space<hbm>>, %arg4: memref<2048x768xf32, #tpu.memory_space<hbm>>, %arg5: memref<64xi32, #tpu.memory_space<vmem>>, %arg6: memref<64xi32, #tpu.memory_space<vmem>>, %arg7: memref<64x768xf32, #tpu.memory_space<vmem>>, %arg8: memref<64x768xf32, #tpu.memory_space<vmem>>, %arg9: memref<!tpu.dma_semaphore, #tpu.memory_space<semaphore_mem>>) attributes {dimension_semantics = [#tpu.dimension_semantics<core_parallel>, #tpu.dimension_semantics<subcore_parallel>], iteration_bounds = array<i64: 2, 16>, scalar_prefetch = 0 : i64, scratch_operands = 5 : i64, tpu.core_type = #tpu.core_type<sc_vector_subcore>, window_params = [{transform_indices = #map}, {transform_indices = #map1}, {transform_indices = #map}]} {
    %mul3A = arith.constant 2 : i32
    %mul3A_0 = arith.muli %arg1, %mul3A : i32
    %add3A = arith.addi %mul3A_0, %arg0 : i32
    %mul3A_1 = arith.constant 64 : i32
    %mul3A_2 = arith.muli %add3A, %mul3A_1 : i32
    "tpu.region"() ({
      %run_scoped3A = tpu.sem_alloc : memref<!tpu.dma_semaphore, #tpu.memory_space<semaphore_mem>>
      %dma_start3A_21 = tpu.memref_slice %arg3[%mul3A_2] : memref<4096xi32, #tpu.memory_space<hbm>> -> memref<64xi32, #tpu.memory_space<hbm>>
      %dma_start3A_22 = tpu.memref_slice %arg3[%mul3A_2] : memref<4096xi32, #tpu.memory_space<hbm>> -> memref<64xi32, #tpu.memory_space<hbm>>
      tpu.enqueue_dma source(%dma_start3A_22 : memref<64xi32, #tpu.memory_space<hbm>>) target(%arg5 : memref<64xi32, #tpu.memory_space<vmem>>) target_semaphore(%run_scoped3A : memref<!tpu.dma_semaphore, #tpu.memory_space<semaphore_mem>>)
      %dma_wait3A_23 = tpu.memref_slice %arg3[%mul3A_2] : memref<4096xi32, #tpu.memory_space<hbm>> -> memref<64xi32, #tpu.memory_space<hbm>>
      %dma_wait3A_24 = tpu.memref_slice %arg3[%mul3A_2] : memref<4096xi32, #tpu.memory_space<hbm>> -> memref<64xi32, #tpu.memory_space<hbm>>
      tpu.wait_dma2 semaphore(%run_scoped3A : memref<!tpu.dma_semaphore, #tpu.memory_space<semaphore_mem>>) src(%dma_wait3A_24 : memref<64xi32, #tpu.memory_space<hbm>>) dst(%arg5 : memref<64xi32, #tpu.memory_space<vmem>>)
      tpu.yield
    }) : () -> ()
    %add3A_3 = arith.constant 2048 : i32
    %add3A_4 = arith.addi %add3A_3, %mul3A_2 : i32
    "tpu.region"() ({
      %run_scoped3A = tpu.sem_alloc : memref<!tpu.dma_semaphore, #tpu.memory_space<semaphore_mem>>
      %dma_start3A_21 = tpu.memref_slice %arg3[%add3A_4] : memref<4096xi32, #tpu.memory_space<hbm>> -> memref<64xi32, #tpu.memory_space<hbm>>
      %dma_start3A_22 = tpu.memref_slice %arg3[%add3A_4] : memref<4096xi32, #tpu.memory_space<hbm>> -> memref<64xi32, #tpu.memory_space<hbm>>
      tpu.enqueue_dma source(%dma_start3A_22 : memref<64xi32, #tpu.memory_space<hbm>>) target(%arg6 : memref<64xi32, #tpu.memory_space<vmem>>) target_semaphore(%run_scoped3A : memref<!tpu.dma_semaphore, #tpu.memory_space<semaphore_mem>>)
      %dma_wait3A_23 = tpu.memref_slice %arg3[%add3A_4] : memref<4096xi32, #tpu.memory_space<hbm>> -> memref<64xi32, #tpu.memory_space<hbm>>
      %dma_wait3A_24 = tpu.memref_slice %arg3[%add3A_4] : memref<4096xi32, #tpu.memory_space<hbm>> -> memref<64xi32, #tpu.memory_space<hbm>>
      tpu.wait_dma2 semaphore(%run_scoped3A : memref<!tpu.dma_semaphore, #tpu.memory_space<semaphore_mem>>) src(%dma_wait3A_24 : memref<64xi32, #tpu.memory_space<hbm>>) dst(%arg6 : memref<64xi32, #tpu.memory_space<vmem>>)
      tpu.yield
    }) : () -> ()
    %dma_start3A = arith.constant 0 : i32
    %dma_start3A_5 = arith.constant 0 : i32
    %dma_start3A_6 = tpu.memref_slice %arg2[%dma_start3A, %dma_start3A_5] : memref<5888x768xf32, #tpu.memory_space<hbm>> -> memref<5888x768xf32, #tpu.memory_space<hbm>>
    tpu.enqueue_indirect_dma source(%dma_start3A_6 : memref<5888x768xf32, #tpu.memory_space<hbm>>) target(%arg7 : memref<64x768xf32, #tpu.memory_space<vmem>>) offsets(%arg5 : memref<64xi32, #tpu.memory_space<vmem>>) semaphore(%arg9 : memref<!tpu.dma_semaphore, #tpu.memory_space<semaphore_mem>>)
    %dma_start3A_7 = arith.constant 0 : i32
    %dma_start3A_8 = arith.constant 0 : i32
    %dma_start3A_9 = tpu.memref_slice %arg2[%dma_start3A_7, %dma_start3A_8] : memref<5888x768xf32, #tpu.memory_space<hbm>> -> memref<5888x768xf32, #tpu.memory_space<hbm>>
    tpu.enqueue_indirect_dma source(%dma_start3A_9 : memref<5888x768xf32, #tpu.memory_space<hbm>>) target(%arg8 : memref<64x768xf32, #tpu.memory_space<vmem>>) offsets(%arg6 : memref<64xi32, #tpu.memory_space<vmem>>) semaphore(%arg9 : memref<!tpu.dma_semaphore, #tpu.memory_space<semaphore_mem>>)
    %dma_wait3A = arith.constant 0 : i32
    %dma_wait3A_10 = arith.constant 0 : i32
    %dma_wait3A_11 = tpu.memref_slice %arg2[%dma_wait3A, %dma_wait3A_10] : memref<5888x768xf32, #tpu.memory_space<hbm>> -> memref<5888x768xf32, #tpu.memory_space<hbm>>
    tpu.wait_indirect_dma semaphore(%arg9 : memref<!tpu.dma_semaphore, #tpu.memory_space<semaphore_mem>>) src(%dma_wait3A_11 : memref<5888x768xf32, #tpu.memory_space<hbm>>) dst(%arg7 : memref<64x768xf32, #tpu.memory_space<vmem>>)
    %dma_wait3A_12 = arith.constant 0 : i32
    %dma_wait3A_13 = arith.constant 0 : i32
    %dma_wait3A_14 = tpu.memref_slice %arg2[%dma_wait3A_12, %dma_wait3A_13] : memref<5888x768xf32, #tpu.memory_space<hbm>> -> memref<5888x768xf32, #tpu.memory_space<hbm>>
    tpu.wait_indirect_dma semaphore(%arg9 : memref<!tpu.dma_semaphore, #tpu.memory_space<semaphore_mem>>) src(%dma_wait3A_14 : memref<5888x768xf32, #tpu.memory_space<hbm>>) dst(%arg8 : memref<64x768xf32, #tpu.memory_space<vmem>>)
    %scan3A = arith.constant 0 : i32
    %scan3A_15 = arith.constant 0 : i32
    %scan3A_16 = arith.constant 64 : i32
    %scan3A_17 = arith.addi %scan3A_15, %scan3A_16 : i32
    %scan3A_18 = arith.constant 1 : i32
    %scan3A_19 = scf.for %scan3A_21 = %scan3A_15 to %scan3A_17 step %scan3A_18 iter_args(%scan3A_22 = %scan3A) -> (i32)  : i32 {
      %get3A = arith.index_cast %scan3A_21 : i32 to index
      %get3A_23 = arith.constant 0 : index
      %get3A_24 = tpu.vector_load %arg7[%get3A, %get3A_23] {strides = array<i32>} : memref<64x768xf32, #tpu.memory_space<vmem>>, vector<1x16xf32>,
      %get3A_25 = vector.shape_cast %get3A_24 : vector<1x16xf32> to vector<16xf32>
      %get3A_26 = arith.index_cast %scan3A_21 : i32 to index
      %get3A_27 = arith.constant 0 : index
      %get3A_28 = tpu.vector_load %arg8[%get3A_26, %get3A_27] {strides = array<i32>} : memref<64x768xf32, #tpu.memory_space<vmem>>, vector<1x16xf32>,
      %get3A_29 = vector.shape_cast %get3A_28 : vector<1x16xf32> to vector<16xf32>
      %add3A_30 = arith.addf %get3A_25, %get3A_29 : vector<16xf32>
      %swap3A = arith.index_cast %scan3A_21 : i32 to index
      %swap3A_31 = arith.constant 0 : index
      %swap3A_32 = tpu.vector_load %arg7[%swap3A, %swap3A_31] {strides = array<i32>} : memref<64x768xf32, #tpu.memory_space<vmem>>, vector<1x16xf32>,
      %swap3A_33 = vector.shape_cast %swap3A_32 : vector<1x16xf32> to vector<16xf32>
      %swap3A_34 = vector.shape_cast %add3A_30 : vector<16xf32> to vector<1x16xf32>
      tpu.vector_store %arg7[%swap3A, %swap3A_31], %swap3A_34 {strides = array<i32>} : memref<64x768xf32, #tpu.memory_space<vmem>>, vector<1x16xf32>,
      %get3A_35 = arith.index_cast %scan3A_21 : i32 to index
      %get3A_36 = arith.constant 16 : index
      %get3A_37 = tpu.vector_load %arg7[%get3A_35, %get3A_36] {strides = array<i32>} : memref<64x768xf32, #tpu.memory_space<vmem>>, vector<1x16xf32>,
      %get3A_38 = vector.shape_cast %get3A_37 : vector<1x16xf32> to vector<16xf32>
      %get3A_39 = arith.index_cast %scan3A_21 : i32 to index
      %get3A_40 = arith.constant 16 : index
      %get3A_41 = tpu.vector_load %arg8[%get3A_39, %get3A_40] {strides = array<i32>} : memref<64x768xf32, #tpu.memory_space<vmem>>, vector<1x16xf32>,
      %get3A_42 = vector.shape_cast %get3A_41 : vector<1x16xf32> to vector<16xf32>
      %add3A_43 = arith.addf %get3A_38, %get3A_42 : vector<16xf32>
      %swap3A_44 = arith.index_cast %scan3A_21 : i32 to index
      %swap3A_45 = arith.constant 16 : index
      %swap3A_46 = tpu.vector_load %arg7[%swap3A_44, %swap3A_45] {strides = array<i32>} : memref<64x768xf32, #tpu.memory_space<vmem>>, vector<1x16xf32>,
      %swap3A_47 = vector.shape_cast %swap3A_46 : vector<1x16xf32> to vector<16xf32>
      %swap3A_48 = vector.shape_cast %add3A_43 : vector<16xf32> to vector<1x16xf32>
      tpu.vector_store %arg7[%swap3A_44, %swap3A_45], %swap3A_48 {strides = array<i32>} : memref<64x768xf32, #tpu.memory_space<vmem>>, vector<1x16xf32>,
      %get3A_49 = arith.index_cast %scan3A_21 : i32 to index
      %get3A_50 = arith.constant 32 : index
      %get3A_51 = tpu.vector_load %arg7[%get3A_49, %get3A_50] {strides = array<i32>} : memref<64x768xf32, #tpu.memory_space<vmem>>, vector<1x16xf32>,
      %get3A_52 = vector.shape_cast %get3A_51 : vector<1x16xf32> to vector<16xf32>
      %get3A_53 = arith.index_cast %scan3A_21 : i32 to index
      %get3A_54 = arith.constant 32 : index
      %get3A_55 = tpu.vector_load %arg8[%get3A_53, %get3A_54] {strides = array<i32>} : memref<64x768xf32, #tpu.memory_space<vmem>>, vector<1x16xf32>,
      %get3A_56 = vector.shape_cast %get3A_55 : vector<1x16xf32> to vector<16xf32>
      %add3A_57 = arith.addf %get3A_52, %get3A_56 : vector<16xf32>
      %swap3A_58 = arith.index_cast %scan3A_21 : i32 to index
      %swap3A_59 = arith.constant 32 : index
      %swap3A_60 = tpu.vector_load %arg7[%swap3A_58, %swap3A_59] {strides = array<i32>} : memref<64x768xf32, #tpu.memory_space<vmem>>, vector<1x16xf32>,
      %swap3A_61 = vector.shape_cast %swap3A_60 : vector<1x16xf32> to vector<16xf32>
      %swap3A_62 = vector.shape_cast %add3A_57 : vector<16xf32> to vector<1x16xf32>
      tpu.vector_store %arg7[%swap3A_58, %swap3A_59], %swap3A_62 {strides = array<i32>} : memref<64x768xf32, #tpu.memory_space<vmem>>, vector<1x16xf32>,
      %get3A_63 = arith.index_cast %scan3A_21 : i32 to index
      %get3A_64 = arith.constant 48 : index
      %get3A_65 = tpu.vector_load %arg7[%get3A_63, %get3A_64] {strides = array<i32>} : memref<64x768xf32, #tpu.memory_space<vmem>>, vector<1x16xf32>,
      %get3A_66 = vector.shape_cast %get3A_65 : vector<1x16xf32> to vector<16xf32>
      %get3A_67 = arith.index_cast %scan3A_21 : i32 to index
      %get3A_68 = arith.constant 48 : index
      %get3A_69 = tpu.vector_load %arg8[%get3A_67, %get3A_68] {strides = array<i32>} : memref<64x768xf32, #tpu.memory_space<vmem>>, vector<1x16xf32>,
      %get3A_70 = vector.shape_cast %get3A_69 : vector<1x16xf32> to vector<16xf32>
      %add3A_71 = arith.addf %get3A_66, %get3A_70 : vector<16xf32>
      %swap3A_72 = arith.index_cast %scan3A_21 : i32 to index
      %swap3A_73 = arith.constant 48 : index
      %swap3A_74 = tpu.vector_load %arg7[%swap3A_72, %swap3A_73] {strides = array<i32>} : memref<64x768xf32, #tpu.memory_space<vmem>>, vector<1x16xf32>,
      %swap3A_75 = vector.shape_cast %swap3A_74 : vector<1x16xf32> to vector<16xf32>
      %swap3A_76 = vector.shape_cast %add3A_71 : vector<16xf32> to vector<1x16xf32>
      tpu.vector_store %arg7[%swap3A_72, %swap3A_73], %swap3A_76 {strides = array<i32>} : memref<64x768xf32, #tpu.memory_space<vmem>>, vector<1x16xf32>,
      %get3A_77 = arith.index_cast %scan3A_21 : i32 to index
      %get3A_78 = arith.constant 64 : index
      %get3A_79 = tpu.vector_load %arg7[%get3A_77, %get3A_78] {strides = array<i32>} : memref<64x768xf32, #tpu.memory_space<vmem>>, vector<1x16xf32>,
      %get3A_80 = vector.shape_cast %get3A_79 : vector<1x16xf32> to vector<16xf32>
      %get3A_81 = arith.index_cast %scan3A_21 : i32 to index
      %get3A_82 = arith.constant 64 : index
      %get3A_83 = tpu.vector_load %arg8[%get3A_81, %get3A_82] {strides = array<i32>} : memref<64x768xf32, #tpu.memory_space<vmem>>, vector<1x16xf32>,
      %get3A_84 = vector.shape_cast %get3A_83 : vector<1x16xf32> to vector<16xf32>
      %add3A_85 = arith.addf %get3A_80, %get3A_84 : vector<16xf32>
      %swap3A_86 = arith.index_cast %scan3A_21 : i32 to index
      %swap3A_87 = arith.constant 64 : index
      %swap3A_88 = tpu.vector_load %arg7[%swap3A_86, %swap3A_87] {strides = array<i32>} : memref<64x768xf32, #tpu.memory_space<vmem>>, vector<1x16xf32>,
      %swap3A_89 = vector.shape_cast %swap3A_88 : vector<1x16xf32> to vector<16xf32>
      %swap3A_90 = vector.shape_cast %add3A_85 : vector<16xf32> to vector<1x16xf32>
      tpu.vector_store %arg7[%swap3A_86, %swap3A_87], %swap3A_90 {strides = array<i32>} : memref<64x768xf32, #tpu.memory_space<vmem>>, vector<1x16xf32>,
      %get3A_91 = arith.index_cast %scan3A_21 : i32 to index
      %get3A_92 = arith.constant 80 : index
      %get3A_93 = tpu.vector_load %arg7[%get3A_91, %get3A_92] {strides = array<i32>} : memref<64x768xf32, #tpu.memory_space<vmem>>, vector<1x16xf32>,
      %get3A_94 = vector.shape_cast %get3A_93 : vector<1x16xf32> to vector<16xf32>
      %get3A_95 = arith.index_cast %scan3A_21 : i32 to index
      %get3A_96 = arith.constant 80 : index
      %get3A_97 = tpu.vector_load %arg8[%get3A_95, %get3A_96] {strides = array<i32>} : memref<64x768xf32, #tpu.memory_space<vmem>>, vector<1x16xf32>,
      %get3A_98 = vector.shape_cast %get3A_97 : vector<1x16xf32> to vector<16xf32>
      %add3A_99 = arith.addf %get3A_94, %get3A_98 : vector<16xf32>
      %swap3A_100 = arith.index_cast %scan3A_21 : i32 to index
      %swap3A_101 = arith.constant 80 : index
      %swap3A_102 = tpu.vector_load %arg7[%swap3A_100, %swap3A_101] {strides = array<i32>} : memref<64x768xf32, #tpu.memory_space<vmem>>, vector<1x16xf32>,
      %swap3A_103 = vector.shape_cast %swap3A_102 : vector<1x16xf32> to vector<16xf32>
      %swap3A_104 = vector.shape_cast %add3A_99 : vector<16xf32> to vector<1x16xf32>
      tpu.vector_store %arg7[%swap3A_100, %swap3A_101], %swap3A_104 {strides = array<i32>} : memref<64x768xf32, #tpu.memory_space<vmem>>, vector<1x16xf32>,
      %get3A_105 = arith.index_cast %scan3A_21 : i32 to index
      %get3A_106 = arith.constant 96 : index
      %get3A_107 = tpu.vector_load %arg7[%get3A_105, %get3A_106] {strides = array<i32>} : memref<64x768xf32, #tpu.memory_space<vmem>>, vector<1x16xf32>,
      %get3A_108 = vector.shape_cast %get3A_107 : vector<1x16xf32> to vector<16xf32>
      %get3A_109 = arith.index_cast %scan3A_21 : i32 to index
      %get3A_110 = arith.constant 96 : index
      %get3A_111 = tpu.vector_load %arg8[%get3A_109, %get3A_110] {strides = array<i32>} : memref<64x768xf32, #tpu.memory_space<vmem>>, vector<1x16xf32>,
      %get3A_112 = vector.shape_cast %get3A_111 : vector<1x16xf32> to vector<16xf32>
      %add3A_113 = arith.addf %get3A_108, %get3A_112 : vector<16xf32>
      %swap3A_114 = arith.index_cast %scan3A_21 : i32 to index
      %swap3A_115 = arith.constant 96 : index
      %swap3A_116 = tpu.vector_load %arg7[%swap3A_114, %swap3A_115] {strides = array<i32>} : memref<64x768xf32, #tpu.memory_space<vmem>>, vector<1x16xf32>,
      %swap3A_117 = vector.shape_cast %swap3A_116 : vector<1x16xf32> to vector<16xf32>
      %swap3A_118 = vector.shape_cast %add3A_113 : vector<16xf32> to vector<1x16xf32>
      tpu.vector_store %arg7[%swap3A_114, %swap3A_115], %swap3A_118 {strides = array<i32>} : memref<64x768xf32, #tpu.memory_space<vmem>>, vector<1x16xf32>,
      %get3A_119 = arith.index_cast %scan3A_21 : i32 to index
      %get3A_120 = arith.constant 112 : index
      %get3A_121 = tpu.vector_load %arg7[%get3A_119, %get3A_120] {strides = array<i32>} : memref<64x768xf32, #tpu.memory_space<vmem>>, vector<1x16xf32>,
      %get3A_122 = vector.shape_cast %get3A_121 : vector<1x16xf32> to vector<16xf32>
      %get3A_123 = arith.index_cast %scan3A_21 : i32 to index
      %get3A_124 = arith.constant 112 : index
      %get3A_125 = tpu.vector_load %arg8[%get3A_123, %get3A_124] {strides = array<i32>} : memref<64x768xf32, #tpu.memory_space<vmem>>, vector<1x16xf32>,
      %get3A_126 = vector.shape_cast %get3A_125 : vector<1x16xf32> to vector<16xf32>
      %add3A_127 = arith.addf %get3A_122, %get3A_126 : vector<16xf32>
      %swap3A_128 = arith.index_cast %scan3A_21 : i32 to index
      %swap3A_129 = arith.constant 112 : index
      %swap3A_130 = tpu.vector_load %arg7[%swap3A_128, %swap3A_129] {strides = array<i32>} : memref<64x768xf32, #tpu.memory_space<vmem>>, vector<1x16xf32>,
      %swap3A_131 = vector.shape_cast %swap3A_130 : vector<1x16xf32> to vector<16xf32>
      %swap3A_132 = vector.shape_cast %add3A_127 : vector<16xf32> to vector<1x16xf32>
      tpu.vector_store %arg7[%swap3A_128, %swap3A_129], %swap3A_132 {strides = array<i32>} : memref<64x768xf32, #tpu.memory_space<vmem>>, vector<1x16xf32>,
      %get3A_133 = arith.index_cast %scan3A_21 : i32 to index
      %get3A_134 = arith.constant 128 : index
      %get3A_135 = tpu.vector_load %arg7[%get3A_133, %get3A_134] {strides = array<i32>} : memref<64x768xf32, #tpu.memory_space<vmem>>, vector<1x16xf32>,
      %get3A_136 = vector.shape_cast %get3A_135 : vector<1x16xf32> to vector<16xf32>
      %get3A_137 = arith.index_cast %scan3A_21 : i32 to index
      %get3A_138 = arith.constant 128 : index
      %get3A_139 = tpu.vector_load %arg8[%get3A_137, %get3A_138] {strides = array<i32>} : memref<64x768xf32, #tpu.memory_space<vmem>>, vector<1x16xf32>,
      %get3A_140 = vector.shape_cast %get3A_139 : vector<1x16xf32> to vector<16xf32>
      %add3A_141 = arith.addf %get3A_136, %get3A_140 : vector<16xf32>
      %swap3A_142 = arith.index_cast %scan3A_21 : i32 to index
      %swap3A_143 = arith.constant 128 : index
      %swap3A_144 = tpu.vector_load %arg7[%swap3A_142, %swap3A_143] {strides = array<i32>} : memref<64x768xf32, #tpu.memory_space<vmem>>, vector<1x16xf32>,
      %swap3A_145 = vector.shape_cast %swap3A_144 : vector<1x16xf32> to vector<16xf32>
      %swap3A_146 = vector.shape_cast %add3A_141 : vector<16xf32> to vector<1x16xf32>
      tpu.vector_store %arg7[%swap3A_142, %swap3A_143], %swap3A_146 {strides = array<i32>} : memref<64x768xf32, #tpu.memory_space<vmem>>, vector<1x16xf32>,
      %get3A_147 = arith.index_cast %scan3A_21 : i32 to index
      %get3A_148 = arith.constant 144 : index
      %get3A_149 = tpu.vector_load %arg7[%get3A_147, %get3A_148] {strides = array<i32>} : memref<64x768xf32, #tpu.memory_space<vmem>>, vector<1x16xf32>,
      %get3A_150 = vector.shape_cast %get3A_149 : vector<1x16xf32> to vector<16xf32>
      %get3A_151 = arith.index_cast %scan3A_21 : i32 to index
      %get3A_152 = arith.constant 144 : index
      %get3A_153 = tpu.vector_load %arg8[%get3A_151, %get3A_152] {strides = array<i32>} : memref<64x768xf32, #tpu.memory_space<vmem>>, vector<1x16xf32>,
      %get3A_154 = vector.shape_cast %get3A_153 : vector<1x16xf32> to vector<16xf32>
      %add3A_155 = arith.addf %get3A_150, %get3A_154 : vector<16xf32>
      %swap3A_156 = arith.index_cast %scan3A_21 : i32 to index
      %swap3A_157 = arith.constant 144 : index
      %swap3A_158 = tpu.vector_load %arg7[%swap3A_156, %swap3A_157] {strides = array<i32>} : memref<64x768xf32, #tpu.memory_space<vmem>>, vector<1x16xf32>,
      %swap3A_159 = vector.shape_cast %swap3A_158 : vector<1x16xf32> to vector<16xf32>
      %swap3A_160 = vector.shape_cast %add3A_155 : vector<16xf32> to vector<1x16xf32>
      tpu.vector_store %arg7[%swap3A_156, %swap3A_157], %swap3A_160 {strides = array<i32>} : memref<64x768xf32, #tpu.memory_space<vmem>>, vector<1x16xf32>,
      %get3A_161 = arith.index_cast %scan3A_21 : i32 to index
      %get3A_162 = arith.constant 160 : index
      %get3A_163 = tpu.vector_load %arg7[%get3A_161, %get3A_162] {strides = array<i32>} : memref<64x768xf32, #tpu.memory_space<vmem>>, vector<1x16xf32>,
      %get3A_164 = vector.shape_cast %get3A_163 : vector<1x16xf32> to vector<16xf32>
      %get3A_165 = arith.index_cast %scan3A_21 : i32 to index
      %get3A_166 = arith.constant 160 : index
      %get3A_167 = tpu.vector_load %arg8[%get3A_165, %get3A_166] {strides = array<i32>} : memref<64x768xf32, #tpu.memory_space<vmem>>, vector<1x16xf32>,
      %get3A_168 = vector.shape_cast %get3A_167 : vector<1x16xf32> to vector<16xf32>
      %add3A_169 = arith.addf %get3A_164, %get3A_168 : vector<16xf32>
      %swap3A_170 = arith.index_cast %scan3A_21 : i32 to index
      %swap3A_171 = arith.constant 160 : index
      %swap3A_172 = tpu.vector_load %arg7[%swap3A_170, %swap3A_171] {strides = array<i32>} : memref<64x768xf32, #tpu.memory_space<vmem>>, vector<1x16xf32>,
      %swap3A_173 = vector.shape_cast %swap3A_172 : vector<1x16xf32> to vector<16xf32>
      %swap3A_174 = vector.shape_cast %add3A_169 : vector<16xf32> to vector<1x16xf32>
      tpu.vector_store %arg7[%swap3A_170, %swap3A_171], %swap3A_174 {strides = array<i32>} : memref<64x768xf32, #tpu.memory_space<vmem>>, vector<1x16xf32>,
      %get3A_175 = arith.index_cast %scan3A_21 : i32 to index
      %get3A_176 = arith.constant 176 : index
      %get3A_177 = tpu.vector_load %arg7[%get3A_175, %get3A_176] {strides = array<i32>} : memref<64x768xf32, #tpu.memory_space<vmem>>, vector<1x16xf32>,
      %get3A_178 = vector.shape_cast %get3A_177 : vector<1x16xf32> to vector<16xf32>
      %get3A_179 = arith.index_cast %scan3A_21 : i32 to index
      %get3A_180 = arith.constant 176 : index
      %get3A_181 = tpu.vector_load %arg8[%get3A_179, %get3A_180] {strides = array<i32>} : memref<64x768xf32, #tpu.memory_space<vmem>>, vector<1x16xf32>,
      %get3A_182 = vector.shape_cast %get3A_181 : vector<1x16xf32> to vector<16xf32>
      %add3A_183 = arith.addf %get3A_178, %get3A_182 : vector<16xf32>
      %swap3A_184 = arith.index_cast %scan3A_21 : i32 to index
      %swap3A_185 = arith.constant 176 : index
      %swap3A_186 = tpu.vector_load %arg7[%swap3A_184, %swap3A_185] {strides = array<i32>} : memref<64x768xf32, #tpu.memory_space<vmem>>, vector<1x16xf32>,
      %swap3A_187 = vector.shape_cast %swap3A_186 : vector<1x16xf32> to vector<16xf32>
      %swap3A_188 = vector.shape_cast %add3A_183 : vector<16xf32> to vector<1x16xf32>
      tpu.vector_store %arg7[%swap3A_184, %swap3A_185], %swap3A_188 {strides = array<i32>} : memref<64x768xf32, #tpu.memory_space<vmem>>, vector<1x16xf32>,
      %get3A_189 = arith.index_cast %scan3A_21 : i32 to index
      %get3A_190 = arith.constant 192 : index
      %get3A_191 = tpu.vector_load %arg7[%get3A_189, %get3A_190] {strides = array<i32>} : memref<64x768xf32, #tpu.memory_space<vmem>>, vector<1x16xf32>,
      %get3A_192 = vector.shape_cast %get3A_191 : vector<1x16xf32> to vector<16xf32>
      %get3A_193 = arith.index_cast %scan3A_21 : i32 to index
      %get3A_194 = arith.constant 192 : index
      %get3A_195 = tpu.vector_load %arg8[%get3A_193, %get3A_194] {strides = array<i32>} : memref<64x768xf32, #tpu.memory_space<vmem>>, vector<1x16xf32>,
      %get3A_196 = vector.shape_cast %get3A_195 : vector<1x16xf32> to vector<16xf32>
      %add3A_197 = arith.addf %get3A_192, %get3A_196 : vector<16xf32>
      %swap3A_198 = arith.index_cast %scan3A_21 : i32 to index
      %swap3A_199 = arith.constant 192 : index
      %swap3A_200 = tpu.vector_load %arg7[%swap3A_198, %swap3A_199] {strides = array<i32>} : memref<64x768xf32, #tpu.memory_space<vmem>>, vector<1x16xf32>,
      %swap3A_201 = vector.shape_cast %swap3A_200 : vector<1x16xf32> to vector<16xf32>
      %swap3A_202 = vector.shape_cast %add3A_197 : vector<16xf32> to vector<1x16xf32>
      tpu.vector_store %arg7[%swap3A_198, %swap3A_199], %swap3A_202 {strides = array<i32>} : memref<64x768xf32, #tpu.memory_space<vmem>>, vector<1x16xf32>,
      %get3A_203 = arith.index_cast %scan3A_21 : i32 to index
      %get3A_204 = arith.constant 208 : index
      %get3A_205 = tpu.vector_load %arg7[%get3A_203, %get3A_204] {strides = array<i32>} : memref<64x768xf32, #tpu.memory_space<vmem>>, vector<1x16xf32>,
      %get3A_206 = vector.shape_cast %get3A_205 : vector<1x16xf32> to vector<16xf32>
      %get3A_207 = arith.index_cast %scan3A_21 : i32 to index
      %get3A_208 = arith.constant 208 : index
      %get3A_209 = tpu.vector_load %arg8[%get3A_207, %get3A_208] {strides = array<i32>} : memref<64x768xf32, #tpu.memory_space<vmem>>, vector<1x16xf32>,
      %get3A_210 = vector.shape_cast %get3A_209 : vector<1x16xf32> to vector<16xf32>
      %add3A_211 = arith.addf %get3A_206, %get3A_210 : vector<16xf32>
      %swap3A_212 = arith.index_cast %scan3A_21 : i32 to index
      %swap3A_213 = arith.constant 208 : index
      %swap3A_214 = tpu.vector_load %arg7[%swap3A_212, %swap3A_213] {strides = array<i32>} : memref<64x768xf32, #tpu.memory_space<vmem>>, vector<1x16xf32>,
      %swap3A_215 = vector.shape_cast %swap3A_214 : vector<1x16xf32> to vector<16xf32>
      %swap3A_216 = vector.shape_cast %add3A_211 : vector<16xf32> to vector<1x16xf32>
      tpu.vector_store %arg7[%swap3A_212, %swap3A_213], %swap3A_216 {strides = array<i32>} : memref<64x768xf32, #tpu.memory_space<vmem>>, vector<1x16xf32>,
      %get3A_217 = arith.index_cast %scan3A_21 : i32 to index
      %get3A_218 = arith.constant 224 : index
      %get3A_219 = tpu.vector_load %arg7[%get3A_217, %get3A_218] {strides = array<i32>} : memref<64x768xf32, #tpu.memory_space<vmem>>, vector<1x16xf32>,
      %get3A_220 = vector.shape_cast %get3A_219 : vector<1x16xf32> to vector<16xf32>
      %get3A_221 = arith.index_cast %scan3A_21 : i32 to index
      %get3A_222 = arith.constant 224 : index
      %get3A_223 = tpu.vector_load %arg8[%get3A_221, %get3A_222] {strides = array<i32>} : memref<64x768xf32, #tpu.memory_space<vmem>>, vector<1x16xf32>,
      %get3A_224 = vector.shape_cast %get3A_223 : vector<1x16xf32> to vector<16xf32>
      %add3A_225 = arith.addf %get3A_220, %get3A_224 : vector<16xf32>
      %swap3A_226 = arith.index_cast %scan3A_21 : i32 to index
      %swap3A_227 = arith.constant 224 : index
      %swap3A_228 = tpu.vector_load %arg7[%swap3A_226, %swap3A_227] {strides = array<i32>} : memref<64x768xf32, #tpu.memory_space<vmem>>, vector<1x16xf32>,
      %swap3A_229 = vector.shape_cast %swap3A_228 : vector<1x16xf32> to vector<16xf32>
      %swap3A_230 = vector.shape_cast %add3A_225 : vector<16xf32> to vector<1x16xf32>
      tpu.vector_store %arg7[%swap3A_226, %swap3A_227], %swap3A_230 {strides = array<i32>} : memref<64x768xf32, #tpu.memory_space<vmem>>, vector<1x16xf32>,
      %get3A_231 = arith.index_cast %scan3A_21 : i32 to index
      %get3A_232 = arith.constant 240 : index
      %get3A_233 = tpu.vector_load %arg7[%get3A_231, %get3A_232] {strides = array<i32>} : memref<64x768xf32, #tpu.memory_space<vmem>>, vector<1x16xf32>,
      %get3A_234 = vector.shape_cast %get3A_233 : vector<1x16xf32> to vector<16xf32>
      %get3A_235 = arith.index_cast %scan3A_21 : i32 to index
      %get3A_236 = arith.constant 240 : index
      %get3A_237 = tpu.vector_load %arg8[%get3A_235, %get3A_236] {strides = array<i32>} : memref<64x768xf32, #tpu.memory_space<vmem>>, vector<1x16xf32>,
      %get3A_238 = vector.shape_cast %get3A_237 : vector<1x16xf32> to vector<16xf32>
      %add3A_239 = arith.addf %get3A_234, %get3A_238 : vector<16xf32>
      %swap3A_240 = arith.index_cast %scan3A_21 : i32 to index
      %swap3A_241 = arith.constant 240 : index
      %swap3A_242 = tpu.vector_load %arg7[%swap3A_240, %swap3A_241] {strides = array<i32>} : memref<64x768xf32, #tpu.memory_space<vmem>>, vector<1x16xf32>,
      %swap3A_243 = vector.shape_cast %swap3A_242 : vector<1x16xf32> to vector<16xf32>
      %swap3A_244 = vector.shape_cast %add3A_239 : vector<16xf32> to vector<1x16xf32>
      tpu.vector_store %arg7[%swap3A_240, %swap3A_241], %swap3A_244 {strides = array<i32>} : memref<64x768xf32, #tpu.memory_space<vmem>>, vector<1x16xf32>,
      %get3A_245 = arith.index_cast %scan3A_21 : i32 to index
      %get3A_246 = arith.constant 256 : index
      %get3A_247 = tpu.vector_load %arg7[%get3A_245, %get3A_246] {strides = array<i32>} : memref<64x768xf32, #tpu.memory_space<vmem>>, vector<1x16xf32>,
      %get3A_248 = vector.shape_cast %get3A_247 : vector<1x16xf32> to vector<16xf32>
      %get3A_249 = arith.index_cast %scan3A_21 : i32 to index
      %get3A_250 = arith.constant 256 : index
      %get3A_251 = tpu.vector_load %arg8[%get3A_249, %get3A_250] {strides = array<i32>} : memref<64x768xf32, #tpu.memory_space<vmem>>, vector<1x16xf32>,
      %get3A_252 = vector.shape_cast %get3A_251 : vector<1x16xf32> to vector<16xf32>
      %add3A_253 = arith.addf %get3A_248, %get3A_252 : vector<16xf32>
      %swap3A_254 = arith.index_cast %scan3A_21 : i32 to index
      %swap3A_255 = arith.constant 256 : index
      %swap3A_256 = tpu.vector_load %arg7[%swap3A_254, %swap3A_255] {strides = array<i32>} : memref<64x768xf32, #tpu.memory_space<vmem>>, vector<1x16xf32>,
      %swap3A_257 = vector.shape_cast %swap3A_256 : vector<1x16xf32> to vector<16xf32>
      %swap3A_258 = vector.shape_cast %add3A_253 : vector<16xf32> to vector<1x16xf32>
      tpu.vector_store %arg7[%swap3A_254, %swap3A_255], %swap3A_258 {strides = array<i32>} : memref<64x768xf32, #tpu.memory_space<vmem>>, vector<1x16xf32>,
      %get3A_259 = arith.index_cast %scan3A_21 : i32 to index
      %get3A_260 = arith.constant 272 : index
      %get3A_261 = tpu.vector_load %arg7[%get3A_259, %get3A_260] {strides = array<i32>} : memref<64x768xf32, #tpu.memory_space<vmem>>, vector<1x16xf32>,
      %get3A_262 = vector.shape_cast %get3A_261 : vector<1x16xf32> to vector<16xf32>
      %get3A_263 = arith.index_cast %scan3A_21 : i32 to index
      %get3A_264 = arith.constant 272 : index
      %get3A_265 = tpu.vector_load %arg8[%get3A_263, %get3A_264] {strides = array<i32>} : memref<64x768xf32, #tpu.memory_space<vmem>>, vector<1x16xf32>,
      %get3A_266 = vector.shape_cast %get3A_265 : vector<1x16xf32> to vector<16xf32>
      %add3A_267 = arith.addf %get3A_262, %get3A_266 : vector<16xf32>
      %swap3A_268 = arith.index_cast %scan3A_21 : i32 to index
      %swap3A_269 = arith.constant 272 : index
      %swap3A_270 = tpu.vector_load %arg7[%swap3A_268, %swap3A_269] {strides = array<i32>} : memref<64x768xf32, #tpu.memory_space<vmem>>, vector<1x16xf32>,
      %swap3A_271 = vector.shape_cast %swap3A_270 : vector<1x16xf32> to vector<16xf32>
      %swap3A_272 = vector.shape_cast %add3A_267 : vector<16xf32> to vector<1x16xf32>
      tpu.vector_store %arg7[%swap3A_268, %swap3A_269], %swap3A_272 {strides = array<i32>} : memref<64x768xf32, #tpu.memory_space<vmem>>, vector<1x16xf32>,
      %get3A_273 = arith.index_cast %scan3A_21 : i32 to index
      %get3A_274 = arith.constant 288 : index
      %get3A_275 = tpu.vector_load %arg7[%get3A_273, %get3A_274] {strides = array<i32>} : memref<64x768xf32, #tpu.memory_space<vmem>>, vector<1x16xf32>,
      %get3A_276 = vector.shape_cast %get3A_275 : vector<1x16xf32> to vector<16xf32>
      %get3A_277 = arith.index_cast %scan3A_21 : i32 to index
      %get3A_278 = arith.constant 288 : index
      %get3A_279 = tpu.vector_load %arg8[%get3A_277, %get3A_278] {strides = array<i32>} : memref<64x768xf32, #tpu.memory_space<vmem>>, vector<1x16xf32>,
      %get3A_280 = vector.shape_cast %get3A_279 : vector<1x16xf32> to vector<16xf32>
      %add3A_281 = arith.addf %get3A_276, %get3A_280 : vector<16xf32>
      %swap3A_282 = arith.index_cast %scan3A_21 : i32 to index
      %swap3A_283 = arith.constant 288 : index
      %swap3A_284 = tpu.vector_load %arg7[%swap3A_282, %swap3A_283] {strides = array<i32>} : memref<64x768xf32, #tpu.memory_space<vmem>>, vector<1x16xf32>,
      %swap3A_285 = vector.shape_cast %swap3A_284 : vector<1x16xf32> to vector<16xf32>
      %swap3A_286 = vector.shape_cast %add3A_281 : vector<16xf32> to vector<1x16xf32>
      tpu.vector_store %arg7[%swap3A_282, %swap3A_283], %swap3A_286 {strides = array<i32>} : memref<64x768xf32, #tpu.memory_space<vmem>>, vector<1x16xf32>,
      %get3A_287 = arith.index_cast %scan3A_21 : i32 to index
      %get3A_288 = arith.constant 304 : index
      %get3A_289 = tpu.vector_load %arg7[%get3A_287, %get3A_288] {strides = array<i32>} : memref<64x768xf32, #tpu.memory_space<vmem>>, vector<1x16xf32>,
      %get3A_290 = vector.shape_cast %get3A_289 : vector<1x16xf32> to vector<16xf32>
      %get3A_291 = arith.index_cast %scan3A_21 : i32 to index
      %get3A_292 = arith.constant 304 : index
      %get3A_293 = tpu.vector_load %arg8[%get3A_291, %get3A_292] {strides = array<i32>} : memref<64x768xf32, #tpu.memory_space<vmem>>, vector<1x16xf32>,
      %get3A_294 = vector.shape_cast %get3A_293 : vector<1x16xf32> to vector<16xf32>
      %add3A_295 = arith.addf %get3A_290, %get3A_294 : vector<16xf32>
      %swap3A_296 = arith.index_cast %scan3A_21 : i32 to index
      %swap3A_297 = arith.constant 304 : index
      %swap3A_298 = tpu.vector_load %arg7[%swap3A_296, %swap3A_297] {strides = array<i32>} : memref<64x768xf32, #tpu.memory_space<vmem>>, vector<1x16xf32>,
      %swap3A_299 = vector.shape_cast %swap3A_298 : vector<1x16xf32> to vector<16xf32>
      %swap3A_300 = vector.shape_cast %add3A_295 : vector<16xf32> to vector<1x16xf32>
      tpu.vector_store %arg7[%swap3A_296, %swap3A_297], %swap3A_300 {strides = array<i32>} : memref<64x768xf32, #tpu.memory_space<vmem>>, vector<1x16xf32>,
      %get3A_301 = arith.index_cast %scan3A_21 : i32 to index
      %get3A_302 = arith.constant 320 : index
      %get3A_303 = tpu.vector_load %arg7[%get3A_301, %get3A_302] {strides = array<i32>} : memref<64x768xf32, #tpu.memory_space<vmem>>, vector<1x16xf32>,
      %get3A_304 = vector.shape_cast %get3A_303 : vector<1x16xf32> to vector<16xf32>
      %get3A_305 = arith.index_cast %scan3A_21 : i32 to index
      %get3A_306 = arith.constant 320 : index
      %get3A_307 = tpu.vector_load %arg8[%get3A_305, %get3A_306] {strides = array<i32>} : memref<64x768xf32, #tpu.memory_space<vmem>>, vector<1x16xf32>,
      %get3A_308 = vector.shape_cast %get3A_307 : vector<1x16xf32> to vector<16xf32>
      %add3A_309 = arith.addf %get3A_304, %get3A_308 : vector<16xf32>
      %swap3A_310 = arith.index_cast %scan3A_21 : i32 to index
      %swap3A_311 = arith.constant 320 : index
      %swap3A_312 = tpu.vector_load %arg7[%swap3A_310, %swap3A_311] {strides = array<i32>} : memref<64x768xf32, #tpu.memory_space<vmem>>, vector<1x16xf32>,
      %swap3A_313 = vector.shape_cast %swap3A_312 : vector<1x16xf32> to vector<16xf32>
      %swap3A_314 = vector.shape_cast %add3A_309 : vector<16xf32> to vector<1x16xf32>
      tpu.vector_store %arg7[%swap3A_310, %swap3A_311], %swap3A_314 {strides = array<i32>} : memref<64x768xf32, #tpu.memory_space<vmem>>, vector<1x16xf32>,
      %get3A_315 = arith.index_cast %scan3A_21 : i32 to index
      %get3A_316 = arith.constant 336 : index
      %get3A_317 = tpu.vector_load %arg7[%get3A_315, %get3A_316] {strides = array<i32>} : memref<64x768xf32, #tpu.memory_space<vmem>>, vector<1x16xf32>,
      %get3A_318 = vector.shape_cast %get3A_317 : vector<1x16xf32> to vector<16xf32>
      %get3A_319 = arith.index_cast %scan3A_21 : i32 to index
      %get3A_320 = arith.constant 336 : index
      %get3A_321 = tpu.vector_load %arg8[%get3A_319, %get3A_320] {strides = array<i32>} : memref<64x768xf32, #tpu.memory_space<vmem>>, vector<1x16xf32>,
      %get3A_322 = vector.shape_cast %get3A_321 : vector<1x16xf32> to vector<16xf32>
      %add3A_323 = arith.addf %get3A_318, %get3A_322 : vector<16xf32>
      %swap3A_324 = arith.index_cast %scan3A_21 : i32 to index
      %swap3A_325 = arith.constant 336 : index
      %swap3A_326 = tpu.vector_load %arg7[%swap3A_324, %swap3A_325] {strides = array<i32>} : memref<64x768xf32, #tpu.memory_space<vmem>>, vector<1x16xf32>,
      %swap3A_327 = vector.shape_cast %swap3A_326 : vector<1x16xf32> to vector<16xf32>
      %swap3A_328 = vector.shape_cast %add3A_323 : vector<16xf32> to vector<1x16xf32>
      tpu.vector_store %arg7[%swap3A_324, %swap3A_325], %swap3A_328 {strides = array<i32>} : memref<64x768xf32, #tpu.memory_space<vmem>>, vector<1x16xf32>,
      %get3A_329 = arith.index_cast %scan3A_21 : i32 to index
      %get3A_330 = arith.constant 352 : index
      %get3A_331 = tpu.vector_load %arg7[%get3A_329, %get3A_330] {strides = array<i32>} : memref<64x768xf32, #tpu.memory_space<vmem>>, vector<1x16xf32>,
      %get3A_332 = vector.shape_cast %get3A_331 : vector<1x16xf32> to vector<16xf32>
      %get3A_333 = arith.index_cast %scan3A_21 : i32 to index
      %get3A_334 = arith.constant 352 : index
      %get3A_335 = tpu.vector_load %arg8[%get3A_333, %get3A_334] {strides = array<i32>} : memref<64x768xf32, #tpu.memory_space<vmem>>, vector<1x16xf32>,
      %get3A_336 = vector.shape_cast %get3A_335 : vector<1x16xf32> to vector<16xf32>
      %add3A_337 = arith.addf %get3A_332, %get3A_336 : vector<16xf32>
      %swap3A_338 = arith.index_cast %scan3A_21 : i32 to index
      %swap3A_339 = arith.constant 352 : index
      %swap3A_340 = tpu.vector_load %arg7[%swap3A_338, %swap3A_339] {strides = array<i32>} : memref<64x768xf32, #tpu.memory_space<vmem>>, vector<1x16xf32>,
      %swap3A_341 = vector.shape_cast %swap3A_340 : vector<1x16xf32> to vector<16xf32>
      %swap3A_342 = vector.shape_cast %add3A_337 : vector<16xf32> to vector<1x16xf32>
      tpu.vector_store %arg7[%swap3A_338, %swap3A_339], %swap3A_342 {strides = array<i32>} : memref<64x768xf32, #tpu.memory_space<vmem>>, vector<1x16xf32>,
      %get3A_343 = arith.index_cast %scan3A_21 : i32 to index
      %get3A_344 = arith.constant 368 : index
      %get3A_345 = tpu.vector_load %arg7[%get3A_343, %get3A_344] {strides = array<i32>} : memref<64x768xf32, #tpu.memory_space<vmem>>, vector<1x16xf32>,
      %get3A_346 = vector.shape_cast %get3A_345 : vector<1x16xf32> to vector<16xf32>
      %get3A_347 = arith.index_cast %scan3A_21 : i32 to index
      %get3A_348 = arith.constant 368 : index
      %get3A_349 = tpu.vector_load %arg8[%get3A_347, %get3A_348] {strides = array<i32>} : memref<64x768xf32, #tpu.memory_space<vmem>>, vector<1x16xf32>,
      %get3A_350 = vector.shape_cast %get3A_349 : vector<1x16xf32> to vector<16xf32>
      %add3A_351 = arith.addf %get3A_346, %get3A_350 : vector<16xf32>
      %swap3A_352 = arith.index_cast %scan3A_21 : i32 to index
      %swap3A_353 = arith.constant 368 : index
      %swap3A_354 = tpu.vector_load %arg7[%swap3A_352, %swap3A_353] {strides = array<i32>} : memref<64x768xf32, #tpu.memory_space<vmem>>, vector<1x16xf32>,
      %swap3A_355 = vector.shape_cast %swap3A_354 : vector<1x16xf32> to vector<16xf32>
      %swap3A_356 = vector.shape_cast %add3A_351 : vector<16xf32> to vector<1x16xf32>
      tpu.vector_store %arg7[%swap3A_352, %swap3A_353], %swap3A_356 {strides = array<i32>} : memref<64x768xf32, #tpu.memory_space<vmem>>, vector<1x16xf32>,
      %get3A_357 = arith.index_cast %scan3A_21 : i32 to index
      %get3A_358 = arith.constant 384 : index
      %get3A_359 = tpu.vector_load %arg7[%get3A_357, %get3A_358] {strides = array<i32>} : memref<64x768xf32, #tpu.memory_space<vmem>>, vector<1x16xf32>,
      %get3A_360 = vector.shape_cast %get3A_359 : vector<1x16xf32> to vector<16xf32>
      %get3A_361 = arith.index_cast %scan3A_21 : i32 to index
      %get3A_362 = arith.constant 384 : index
      %get3A_363 = tpu.vector_load %arg8[%get3A_361, %get3A_362] {strides = array<i32>} : memref<64x768xf32, #tpu.memory_space<vmem>>, vector<1x16xf32>,
      %get3A_364 = vector.shape_cast %get3A_363 : vector<1x16xf32> to vector<16xf32>
      %add3A_365 = arith.addf %get3A_360, %get3A_364 : vector<16xf32>
      %swap3A_366 = arith.index_cast %scan3A_21 : i32 to index
      %swap3A_367 = arith.constant 384 : index
      %swap3A_368 = tpu.vector_load %arg7[%swap3A_366, %swap3A_367] {strides = array<i32>} : memref<64x768xf32, #tpu.memory_space<vmem>>, vector<1x16xf32>,
      %swap3A_369 = vector.shape_cast %swap3A_368 : vector<1x16xf32> to vector<16xf32>
      %swap3A_370 = vector.shape_cast %add3A_365 : vector<16xf32> to vector<1x16xf32>
      tpu.vector_store %arg7[%swap3A_366, %swap3A_367], %swap3A_370 {strides = array<i32>} : memref<64x768xf32, #tpu.memory_space<vmem>>, vector<1x16xf32>,
      %get3A_371 = arith.index_cast %scan3A_21 : i32 to index
      %get3A_372 = arith.constant 400 : index
      %get3A_373 = tpu.vector_load %arg7[%get3A_371, %get3A_372] {strides = array<i32>} : memref<64x768xf32, #tpu.memory_space<vmem>>, vector<1x16xf32>,
      %get3A_374 = vector.shape_cast %get3A_373 : vector<1x16xf32> to vector<16xf32>
      %get3A_375 = arith.index_cast %scan3A_21 : i32 to index
      %get3A_376 = arith.constant 400 : index
      %get3A_377 = tpu.vector_load %arg8[%get3A_375, %get3A_376] {strides = array<i32>} : memref<64x768xf32, #tpu.memory_space<vmem>>, vector<1x16xf32>,
      %get3A_378 = vector.shape_cast %get3A_377 : vector<1x16xf32> to vector<16xf32>
      %add3A_379 = arith.addf %get3A_374, %get3A_378 : vector<16xf32>
      %swap3A_380 = arith.index_cast %scan3A_21 : i32 to index
      %swap3A_381 = arith.constant 400 : index
      %swap3A_382 = tpu.vector_load %arg7[%swap3A_380, %swap3A_381] {strides = array<i32>} : memref<64x768xf32, #tpu.memory_space<vmem>>, vector<1x16xf32>,
      %swap3A_383 = vector.shape_cast %swap3A_382 : vector<1x16xf32> to vector<16xf32>
      %swap3A_384 = vector.shape_cast %add3A_379 : vector<16xf32> to vector<1x16xf32>
      tpu.vector_store %arg7[%swap3A_380, %swap3A_381], %swap3A_384 {strides = array<i32>} : memref<64x768xf32, #tpu.memory_space<vmem>>, vector<1x16xf32>,
      %get3A_385 = arith.index_cast %scan3A_21 : i32 to index
      %get3A_386 = arith.constant 416 : index
      %get3A_387 = tpu.vector_load %arg7[%get3A_385, %get3A_386] {strides = array<i32>} : memref<64x768xf32, #tpu.memory_space<vmem>>, vector<1x16xf32>,
      %get3A_388 = vector.shape_cast %get3A_387 : vector<1x16xf32> to vector<16xf32>
      %get3A_389 = arith.index_cast %scan3A_21 : i32 to index
      %get3A_390 = arith.constant 416 : index
      %get3A_391 = tpu.vector_load %arg8[%get3A_389, %get3A_390] {strides = array<i32>} : memref<64x768xf32, #tpu.memory_space<vmem>>, vector<1x16xf32>,
      %get3A_392 = vector.shape_cast %get3A_391 : vector<1x16xf32> to vector<16xf32>
      %add3A_393 = arith.addf %get3A_388, %get3A_392 : vector<16xf32>
      %swap3A_394 = arith.index_cast %scan3A_21 : i32 to index
      %swap3A_395 = arith.constant 416 : index
      %swap3A_396 = tpu.vector_load %arg7[%swap3A_394, %swap3A_395] {strides = array<i32>} : memref<64x768xf32, #tpu.memory_space<vmem>>, vector<1x16xf32>,
      %swap3A_397 = vector.shape_cast %swap3A_396 : vector<1x16xf32> to vector<16xf32>
      %swap3A_398 = vector.shape_cast %add3A_393 : vector<16xf32> to vector<1x16xf32>
      tpu.vector_store %arg7[%swap3A_394, %swap3A_395], %swap3A_398 {strides = array<i32>} : memref<64x768xf32, #tpu.memory_space<vmem>>, vector<1x16xf32>,
      %get3A_399 = arith.index_cast %scan3A_21 : i32 to index
      %get3A_400 = arith.constant 432 : index
      %get3A_401 = tpu.vector_load %arg7[%get3A_399, %get3A_400] {strides = array<i32>} : memref<64x768xf32, #tpu.memory_space<vmem>>, vector<1x16xf32>,
      %get3A_402 = vector.shape_cast %get3A_401 : vector<1x16xf32> to vector<16xf32>
      %get3A_403 = arith.index_cast %scan3A_21 : i32 to index
      %get3A_404 = arith.constant 432 : index
      %get3A_405 = tpu.vector_load %arg8[%get3A_403, %get3A_404] {strides = array<i32>} : memref<64x768xf32, #tpu.memory_space<vmem>>, vector<1x16xf32>,
      %get3A_406 = vector.shape_cast %get3A_405 : vector<1x16xf32> to vector<16xf32>
      %add3A_407 = arith.addf %get3A_402, %get3A_406 : vector<16xf32>
      %swap3A_408 = arith.index_cast %scan3A_21 : i32 to index
      %swap3A_409 = arith.constant 432 : index
      %swap3A_410 = tpu.vector_load %arg7[%swap3A_408, %swap3A_409] {strides = array<i32>} : memref<64x768xf32, #tpu.memory_space<vmem>>, vector<1x16xf32>,
      %swap3A_411 = vector.shape_cast %swap3A_410 : vector<1x16xf32> to vector<16xf32>
      %swap3A_412 = vector.shape_cast %add3A_407 : vector<16xf32> to vector<1x16xf32>
      tpu.vector_store %arg7[%swap3A_408, %swap3A_409], %swap3A_412 {strides = array<i32>} : memref<64x768xf32, #tpu.memory_space<vmem>>, vector<1x16xf32>,
      %get3A_413 = arith.index_cast %scan3A_21 : i32 to index
      %get3A_414 = arith.constant 448 : index
      %get3A_415 = tpu.vector_load %arg7[%get3A_413, %get3A_414] {strides = array<i32>} : memref<64x768xf32, #tpu.memory_space<vmem>>, vector<1x16xf32>,
      %get3A_416 = vector.shape_cast %get3A_415 : vector<1x16xf32> to vector<16xf32>
      %get3A_417 = arith.index_cast %scan3A_21 : i32 to index
      %get3A_418 = arith.constant 448 : index
      %get3A_419 = tpu.vector_load %arg8[%get3A_417, %get3A_418] {strides = array<i32>} : memref<64x768xf32, #tpu.memory_space<vmem>>, vector<1x16xf32>,
      %get3A_420 = vector.shape_cast %get3A_419 : vector<1x16xf32> to vector<16xf32>
      %add3A_421 = arith.addf %get3A_416, %get3A_420 : vector<16xf32>
      %swap3A_422 = arith.index_cast %scan3A_21 : i32 to index
      %swap3A_423 = arith.constant 448 : index
      %swap3A_424 = tpu.vector_load %arg7[%swap3A_422, %swap3A_423] {strides = array<i32>} : memref<64x768xf32, #tpu.memory_space<vmem>>, vector<1x16xf32>,
      %swap3A_425 = vector.shape_cast %swap3A_424 : vector<1x16xf32> to vector<16xf32>
      %swap3A_426 = vector.shape_cast %add3A_421 : vector<16xf32> to vector<1x16xf32>
      tpu.vector_store %arg7[%swap3A_422, %swap3A_423], %swap3A_426 {strides = array<i32>} : memref<64x768xf32, #tpu.memory_space<vmem>>, vector<1x16xf32>,
      %get3A_427 = arith.index_cast %scan3A_21 : i32 to index
      %get3A_428 = arith.constant 464 : index
      %get3A_429 = tpu.vector_load %arg7[%get3A_427, %get3A_428] {strides = array<i32>} : memref<64x768xf32, #tpu.memory_space<vmem>>, vector<1x16xf32>,
      %get3A_430 = vector.shape_cast %get3A_429 : vector<1x16xf32> to vector<16xf32>
      %get3A_431 = arith.index_cast %scan3A_21 : i32 to index
      %get3A_432 = arith.constant 464 : index
      %get3A_433 = tpu.vector_load %arg8[%get3A_431, %get3A_432] {strides = array<i32>} : memref<64x768xf32, #tpu.memory_space<vmem>>, vector<1x16xf32>,
      %get3A_434 = vector.shape_cast %get3A_433 : vector<1x16xf32> to vector<16xf32>
      %add3A_435 = arith.addf %get3A_430, %get3A_434 : vector<16xf32>
      %swap3A_436 = arith.index_cast %scan3A_21 : i32 to index
      %swap3A_437 = arith.constant 464 : index
      %swap3A_438 = tpu.vector_load %arg7[%swap3A_436, %swap3A_437] {strides = array<i32>} : memref<64x768xf32, #tpu.memory_space<vmem>>, vector<1x16xf32>,
      %swap3A_439 = vector.shape_cast %swap3A_438 : vector<1x16xf32> to vector<16xf32>
      %swap3A_440 = vector.shape_cast %add3A_435 : vector<16xf32> to vector<1x16xf32>
      tpu.vector_store %arg7[%swap3A_436, %swap3A_437], %swap3A_440 {strides = array<i32>} : memref<64x768xf32, #tpu.memory_space<vmem>>, vector<1x16xf32>,
      %get3A_441 = arith.index_cast %scan3A_21 : i32 to index
      %get3A_442 = arith.constant 480 : index
      %get3A_443 = tpu.vector_load %arg7[%get3A_441, %get3A_442] {strides = array<i32>} : memref<64x768xf32, #tpu.memory_space<vmem>>, vector<1x16xf32>,
      %get3A_444 = vector.shape_cast %get3A_443 : vector<1x16xf32> to vector<16xf32>
      %get3A_445 = arith.index_cast %scan3A_21 : i32 to index
      %get3A_446 = arith.constant 480 : index
      %get3A_447 = tpu.vector_load %arg8[%get3A_445, %get3A_446] {strides = array<i32>} : memref<64x768xf32, #tpu.memory_space<vmem>>, vector<1x16xf32>,
      %get3A_448 = vector.shape_cast %get3A_447 : vector<1x16xf32> to vector<16xf32>
      %add3A_449 = arith.addf %get3A_444, %get3A_448 : vector<16xf32>
      %swap3A_450 = arith.index_cast %scan3A_21 : i32 to index
      %swap3A_451 = arith.constant 480 : index
      %swap3A_452 = tpu.vector_load %arg7[%swap3A_450, %swap3A_451] {strides = array<i32>} : memref<64x768xf32, #tpu.memory_space<vmem>>, vector<1x16xf32>,
      %swap3A_453 = vector.shape_cast %swap3A_452 : vector<1x16xf32> to vector<16xf32>
      %swap3A_454 = vector.shape_cast %add3A_449 : vector<16xf32> to vector<1x16xf32>
      tpu.vector_store %arg7[%swap3A_450, %swap3A_451], %swap3A_454 {strides = array<i32>} : memref<64x768xf32, #tpu.memory_space<vmem>>, vector<1x16xf32>,
      %get3A_455 = arith.index_cast %scan3A_21 : i32 to index
      %get3A_456 = arith.constant 496 : index
      %get3A_457 = tpu.vector_load %arg7[%get3A_455, %get3A_456] {strides = array<i32>} : memref<64x768xf32, #tpu.memory_space<vmem>>, vector<1x16xf32>,
      %get3A_458 = vector.shape_cast %get3A_457 : vector<1x16xf32> to vector<16xf32>
      %get3A_459 = arith.index_cast %scan3A_21 : i32 to index
      %get3A_460 = arith.constant 496 : index
      %get3A_461 = tpu.vector_load %arg8[%get3A_459, %get3A_460] {strides = array<i32>} : memref<64x768xf32, #tpu.memory_space<vmem>>, vector<1x16xf32>,
      %get3A_462 = vector.shape_cast %get3A_461 : vector<1x16xf32> to vector<16xf32>
      %add3A_463 = arith.addf %get3A_458, %get3A_462 : vector<16xf32>
      %swap3A_464 = arith.index_cast %scan3A_21 : i32 to index
      %swap3A_465 = arith.constant 496 : index
      %swap3A_466 = tpu.vector_load %arg7[%swap3A_464, %swap3A_465] {strides = array<i32>} : memref<64x768xf32, #tpu.memory_space<vmem>>, vector<1x16xf32>,
      %swap3A_467 = vector.shape_cast %swap3A_466 : vector<1x16xf32> to vector<16xf32>
      %swap3A_468 = vector.shape_cast %add3A_463 : vector<16xf32> to vector<1x16xf32>
      tpu.vector_store %arg7[%swap3A_464, %swap3A_465], %swap3A_468 {strides = array<i32>} : memref<64x768xf32, #tpu.memory_space<vmem>>, vector<1x16xf32>,
      %get3A_469 = arith.index_cast %scan3A_21 : i32 to index
      %get3A_470 = arith.constant 512 : index
      %get3A_471 = tpu.vector_load %arg7[%get3A_469, %get3A_470] {strides = array<i32>} : memref<64x768xf32, #tpu.memory_space<vmem>>, vector<1x16xf32>,
      %get3A_472 = vector.shape_cast %get3A_471 : vector<1x16xf32> to vector<16xf32>
      %get3A_473 = arith.index_cast %scan3A_21 : i32 to index
      %get3A_474 = arith.constant 512 : index
      %get3A_475 = tpu.vector_load %arg8[%get3A_473, %get3A_474] {strides = array<i32>} : memref<64x768xf32, #tpu.memory_space<vmem>>, vector<1x16xf32>,
      %get3A_476 = vector.shape_cast %get3A_475 : vector<1x16xf32> to vector<16xf32>
      %add3A_477 = arith.addf %get3A_472, %get3A_476 : vector<16xf32>
      %swap3A_478 = arith.index_cast %scan3A_21 : i32 to index
      %swap3A_479 = arith.constant 512 : index
      %swap3A_480 = tpu.vector_load %arg7[%swap3A_478, %swap3A_479] {strides = array<i32>} : memref<64x768xf32, #tpu.memory_space<vmem>>, vector<1x16xf32>,
      %swap3A_481 = vector.shape_cast %swap3A_480 : vector<1x16xf32> to vector<16xf32>
      %swap3A_482 = vector.shape_cast %add3A_477 : vector<16xf32> to vector<1x16xf32>
      tpu.vector_store %arg7[%swap3A_478, %swap3A_479], %swap3A_482 {strides = array<i32>} : memref<64x768xf32, #tpu.memory_space<vmem>>, vector<1x16xf32>,
      %get3A_483 = arith.index_cast %scan3A_21 : i32 to index
      %get3A_484 = arith.constant 528 : index
      %get3A_485 = tpu.vector_load %arg7[%get3A_483, %get3A_484] {strides = array<i32>} : memref<64x768xf32, #tpu.memory_space<vmem>>, vector<1x16xf32>,
      %get3A_486 = vector.shape_cast %get3A_485 : vector<1x16xf32> to vector<16xf32>
      %get3A_487 = arith.index_cast %scan3A_21 : i32 to index
      %get3A_488 = arith.constant 528 : index
      %get3A_489 = tpu.vector_load %arg8[%get3A_487, %get3A_488] {strides = array<i32>} : memref<64x768xf32, #tpu.memory_space<vmem>>, vector<1x16xf32>,
      %get3A_490 = vector.shape_cast %get3A_489 : vector<1x16xf32> to vector<16xf32>
      %add3A_491 = arith.addf %get3A_486, %get3A_490 : vector<16xf32>
      %swap3A_492 = arith.index_cast %scan3A_21 : i32 to index
      %swap3A_493 = arith.constant 528 : index
      %swap3A_494 = tpu.vector_load %arg7[%swap3A_492, %swap3A_493] {strides = array<i32>} : memref<64x768xf32, #tpu.memory_space<vmem>>, vector<1x16xf32>,
      %swap3A_495 = vector.shape_cast %swap3A_494 : vector<1x16xf32> to vector<16xf32>
      %swap3A_496 = vector.shape_cast %add3A_491 : vector<16xf32> to vector<1x16xf32>
      tpu.vector_store %arg7[%swap3A_492, %swap3A_493], %swap3A_496 {strides = array<i32>} : memref<64x768xf32, #tpu.memory_space<vmem>>, vector<1x16xf32>,
      %get3A_497 = arith.index_cast %scan3A_21 : i32 to index
      %get3A_498 = arith.constant 544 : index
      %get3A_499 = tpu.vector_load %arg7[%get3A_497, %get3A_498] {strides = array<i32>} : memref<64x768xf32, #tpu.memory_space<vmem>>, vector<1x16xf32>,
      %get3A_500 = vector.shape_cast %get3A_499 : vector<1x16xf32> to vector<16xf32>
      %get3A_501 = arith.index_cast %scan3A_21 : i32 to index
      %get3A_502 = arith.constant 544 : index
      %get3A_503 = tpu.vector_load %arg8[%get3A_501, %get3A_502] {strides = array<i32>} : memref<64x768xf32, #tpu.memory_space<vmem>>, vector<1x16xf32>,
      %get3A_504 = vector.shape_cast %get3A_503 : vector<1x16xf32> to vector<16xf32>
      %add3A_505 = arith.addf %get3A_500, %get3A_504 : vector<16xf32>
      %swap3A_506 = arith.index_cast %scan3A_21 : i32 to index
      %swap3A_507 = arith.constant 544 : index
      %swap3A_508 = tpu.vector_load %arg7[%swap3A_506, %swap3A_507] {strides = array<i32>} : memref<64x768xf32, #tpu.memory_space<vmem>>, vector<1x16xf32>,
      %swap3A_509 = vector.shape_cast %swap3A_508 : vector<1x16xf32> to vector<16xf32>
      %swap3A_510 = vector.shape_cast %add3A_505 : vector<16xf32> to vector<1x16xf32>
      tpu.vector_store %arg7[%swap3A_506, %swap3A_507], %swap3A_510 {strides = array<i32>} : memref<64x768xf32, #tpu.memory_space<vmem>>, vector<1x16xf32>,
      %get3A_511 = arith.index_cast %scan3A_21 : i32 to index
      %get3A_512 = arith.constant 560 : index
      %get3A_513 = tpu.vector_load %arg7[%get3A_511, %get3A_512] {strides = array<i32>} : memref<64x768xf32, #tpu.memory_space<vmem>>, vector<1x16xf32>,
      %get3A_514 = vector.shape_cast %get3A_513 : vector<1x16xf32> to vector<16xf32>
      %get3A_515 = arith.index_cast %scan3A_21 : i32 to index
      %get3A_516 = arith.constant 560 : index
      %get3A_517 = tpu.vector_load %arg8[%get3A_515, %get3A_516] {strides = array<i32>} : memref<64x768xf32, #tpu.memory_space<vmem>>, vector<1x16xf32>,
      %get3A_518 = vector.shape_cast %get3A_517 : vector<1x16xf32> to vector<16xf32>
      %add3A_519 = arith.addf %get3A_514, %get3A_518 : vector<16xf32>
      %swap3A_520 = arith.index_cast %scan3A_21 : i32 to index
      %swap3A_521 = arith.constant 560 : index
      %swap3A_522 = tpu.vector_load %arg7[%swap3A_520, %swap3A_521] {strides = array<i32>} : memref<64x768xf32, #tpu.memory_space<vmem>>, vector<1x16xf32>,
      %swap3A_523 = vector.shape_cast %swap3A_522 : vector<1x16xf32> to vector<16xf32>
      %swap3A_524 = vector.shape_cast %add3A_519 : vector<16xf32> to vector<1x16xf32>
      tpu.vector_store %arg7[%swap3A_520, %swap3A_521], %swap3A_524 {strides = array<i32>} : memref<64x768xf32, #tpu.memory_space<vmem>>, vector<1x16xf32>,
      %get3A_525 = arith.index_cast %scan3A_21 : i32 to index
      %get3A_526 = arith.constant 576 : index
      %get3A_527 = tpu.vector_load %arg7[%get3A_525, %get3A_526] {strides = array<i32>} : memref<64x768xf32, #tpu.memory_space<vmem>>, vector<1x16xf32>,
      %get3A_528 = vector.shape_cast %get3A_527 : vector<1x16xf32> to vector<16xf32>
      %get3A_529 = arith.index_cast %scan3A_21 : i32 to index
      %get3A_530 = arith.constant 576 : index
      %get3A_531 = tpu.vector_load %arg8[%get3A_529, %get3A_530] {strides = array<i32>} : memref<64x768xf32, #tpu.memory_space<vmem>>, vector<1x16xf32>,
      %get3A_532 = vector.shape_cast %get3A_531 : vector<1x16xf32> to vector<16xf32>
      %add3A_533 = arith.addf %get3A_528, %get3A_532 : vector<16xf32>
      %swap3A_534 = arith.index_cast %scan3A_21 : i32 to index
      %swap3A_535 = arith.constant 576 : index
      %swap3A_536 = tpu.vector_load %arg7[%swap3A_534, %swap3A_535] {strides = array<i32>} : memref<64x768xf32, #tpu.memory_space<vmem>>, vector<1x16xf32>,
      %swap3A_537 = vector.shape_cast %swap3A_536 : vector<1x16xf32> to vector<16xf32>
      %swap3A_538 = vector.shape_cast %add3A_533 : vector<16xf32> to vector<1x16xf32>
      tpu.vector_store %arg7[%swap3A_534, %swap3A_535], %swap3A_538 {strides = array<i32>} : memref<64x768xf32, #tpu.memory_space<vmem>>, vector<1x16xf32>,
      %get3A_539 = arith.index_cast %scan3A_21 : i32 to index
      %get3A_540 = arith.constant 592 : index
      %get3A_541 = tpu.vector_load %arg7[%get3A_539, %get3A_540] {strides = array<i32>} : memref<64x768xf32, #tpu.memory_space<vmem>>, vector<1x16xf32>,
      %get3A_542 = vector.shape_cast %get3A_541 : vector<1x16xf32> to vector<16xf32>
      %get3A_543 = arith.index_cast %scan3A_21 : i32 to index
      %get3A_544 = arith.constant 592 : index
      %get3A_545 = tpu.vector_load %arg8[%get3A_543, %get3A_544] {strides = array<i32>} : memref<64x768xf32, #tpu.memory_space<vmem>>, vector<1x16xf32>,
      %get3A_546 = vector.shape_cast %get3A_545 : vector<1x16xf32> to vector<16xf32>
      %add3A_547 = arith.addf %get3A_542, %get3A_546 : vector<16xf32>
      %swap3A_548 = arith.index_cast %scan3A_21 : i32 to index
      %swap3A_549 = arith.constant 592 : index
      %swap3A_550 = tpu.vector_load %arg7[%swap3A_548, %swap3A_549] {strides = array<i32>} : memref<64x768xf32, #tpu.memory_space<vmem>>, vector<1x16xf32>,
      %swap3A_551 = vector.shape_cast %swap3A_550 : vector<1x16xf32> to vector<16xf32>
      %swap3A_552 = vector.shape_cast %add3A_547 : vector<16xf32> to vector<1x16xf32>
      tpu.vector_store %arg7[%swap3A_548, %swap3A_549], %swap3A_552 {strides = array<i32>} : memref<64x768xf32, #tpu.memory_space<vmem>>, vector<1x16xf32>,
      %get3A_553 = arith.index_cast %scan3A_21 : i32 to index
      %get3A_554 = arith.constant 608 : index
      %get3A_555 = tpu.vector_load %arg7[%get3A_553, %get3A_554] {strides = array<i32>} : memref<64x768xf32, #tpu.memory_space<vmem>>, vector<1x16xf32>,
      %get3A_556 = vector.shape_cast %get3A_555 : vector<1x16xf32> to vector<16xf32>
      %get3A_557 = arith.index_cast %scan3A_21 : i32 to index
      %get3A_558 = arith.constant 608 : index
      %get3A_559 = tpu.vector_load %arg8[%get3A_557, %get3A_558] {strides = array<i32>} : memref<64x768xf32, #tpu.memory_space<vmem>>, vector<1x16xf32>,
      %get3A_560 = vector.shape_cast %get3A_559 : vector<1x16xf32> to vector<16xf32>
      %add3A_561 = arith.addf %get3A_556, %get3A_560 : vector<16xf32>
      %swap3A_562 = arith.index_cast %scan3A_21 : i32 to index
      %swap3A_563 = arith.constant 608 : index
      %swap3A_564 = tpu.vector_load %arg7[%swap3A_562, %swap3A_563] {strides = array<i32>} : memref<64x768xf32, #tpu.memory_space<vmem>>, vector<1x16xf32>,
      %swap3A_565 = vector.shape_cast %swap3A_564 : vector<1x16xf32> to vector<16xf32>
      %swap3A_566 = vector.shape_cast %add3A_561 : vector<16xf32> to vector<1x16xf32>
      tpu.vector_store %arg7[%swap3A_562, %swap3A_563], %swap3A_566 {strides = array<i32>} : memref<64x768xf32, #tpu.memory_space<vmem>>, vector<1x16xf32>,
      %get3A_567 = arith.index_cast %scan3A_21 : i32 to index
      %get3A_568 = arith.constant 624 : index
      %get3A_569 = tpu.vector_load %arg7[%get3A_567, %get3A_568] {strides = array<i32>} : memref<64x768xf32, #tpu.memory_space<vmem>>, vector<1x16xf32>,
      %get3A_570 = vector.shape_cast %get3A_569 : vector<1x16xf32> to vector<16xf32>
      %get3A_571 = arith.index_cast %scan3A_21 : i32 to index
      %get3A_572 = arith.constant 624 : index
      %get3A_573 = tpu.vector_load %arg8[%get3A_571, %get3A_572] {strides = array<i32>} : memref<64x768xf32, #tpu.memory_space<vmem>>, vector<1x16xf32>,
      %get3A_574 = vector.shape_cast %get3A_573 : vector<1x16xf32> to vector<16xf32>
      %add3A_575 = arith.addf %get3A_570, %get3A_574 : vector<16xf32>
      %swap3A_576 = arith.index_cast %scan3A_21 : i32 to index
      %swap3A_577 = arith.constant 624 : index
      %swap3A_578 = tpu.vector_load %arg7[%swap3A_576, %swap3A_577] {strides = array<i32>} : memref<64x768xf32, #tpu.memory_space<vmem>>, vector<1x16xf32>,
      %swap3A_579 = vector.shape_cast %swap3A_578 : vector<1x16xf32> to vector<16xf32>
      %swap3A_580 = vector.shape_cast %add3A_575 : vector<16xf32> to vector<1x16xf32>
      tpu.vector_store %arg7[%swap3A_576, %swap3A_577], %swap3A_580 {strides = array<i32>} : memref<64x768xf32, #tpu.memory_space<vmem>>, vector<1x16xf32>,
      %get3A_581 = arith.index_cast %scan3A_21 : i32 to index
      %get3A_582 = arith.constant 640 : index
      %get3A_583 = tpu.vector_load %arg7[%get3A_581, %get3A_582] {strides = array<i32>} : memref<64x768xf32, #tpu.memory_space<vmem>>, vector<1x16xf32>,
      %get3A_584 = vector.shape_cast %get3A_583 : vector<1x16xf32> to vector<16xf32>
      %get3A_585 = arith.index_cast %scan3A_21 : i32 to index
      %get3A_586 = arith.constant 640 : index
      %get3A_587 = tpu.vector_load %arg8[%get3A_585, %get3A_586] {strides = array<i32>} : memref<64x768xf32, #tpu.memory_space<vmem>>, vector<1x16xf32>,
      %get3A_588 = vector.shape_cast %get3A_587 : vector<1x16xf32> to vector<16xf32>
      %add3A_589 = arith.addf %get3A_584, %get3A_588 : vector<16xf32>
      %swap3A_590 = arith.index_cast %scan3A_21 : i32 to index
      %swap3A_591 = arith.constant 640 : index
      %swap3A_592 = tpu.vector_load %arg7[%swap3A_590, %swap3A_591] {strides = array<i32>} : memref<64x768xf32, #tpu.memory_space<vmem>>, vector<1x16xf32>,
      %swap3A_593 = vector.shape_cast %swap3A_592 : vector<1x16xf32> to vector<16xf32>
      %swap3A_594 = vector.shape_cast %add3A_589 : vector<16xf32> to vector<1x16xf32>
      tpu.vector_store %arg7[%swap3A_590, %swap3A_591], %swap3A_594 {strides = array<i32>} : memref<64x768xf32, #tpu.memory_space<vmem>>, vector<1x16xf32>,
      %get3A_595 = arith.index_cast %scan3A_21 : i32 to index
      %get3A_596 = arith.constant 656 : index
      %get3A_597 = tpu.vector_load %arg7[%get3A_595, %get3A_596] {strides = array<i32>} : memref<64x768xf32, #tpu.memory_space<vmem>>, vector<1x16xf32>,
      %get3A_598 = vector.shape_cast %get3A_597 : vector<1x16xf32> to vector<16xf32>
      %get3A_599 = arith.index_cast %scan3A_21 : i32 to index
      %get3A_600 = arith.constant 656 : index
      %get3A_601 = tpu.vector_load %arg8[%get3A_599, %get3A_600] {strides = array<i32>} : memref<64x768xf32, #tpu.memory_space<vmem>>, vector<1x16xf32>,
      %get3A_602 = vector.shape_cast %get3A_601 : vector<1x16xf32> to vector<16xf32>
      %add3A_603 = arith.addf %get3A_598, %get3A_602 : vector<16xf32>
      %swap3A_604 = arith.index_cast %scan3A_21 : i32 to index
      %swap3A_605 = arith.constant 656 : index
      %swap3A_606 = tpu.vector_load %arg7[%swap3A_604, %swap3A_605] {strides = array<i32>} : memref<64x768xf32, #tpu.memory_space<vmem>>, vector<1x16xf32>,
      %swap3A_607 = vector.shape_cast %swap3A_606 : vector<1x16xf32> to vector<16xf32>
      %swap3A_608 = vector.shape_cast %add3A_603 : vector<16xf32> to vector<1x16xf32>
      tpu.vector_store %arg7[%swap3A_604, %swap3A_605], %swap3A_608 {strides = array<i32>} : memref<64x768xf32, #tpu.memory_space<vmem>>, vector<1x16xf32>,
      %get3A_609 = arith.index_cast %scan3A_21 : i32 to index
      %get3A_610 = arith.constant 672 : index
      %get3A_611 = tpu.vector_load %arg7[%get3A_609, %get3A_610] {strides = array<i32>} : memref<64x768xf32, #tpu.memory_space<vmem>>, vector<1x16xf32>,
      %get3A_612 = vector.shape_cast %get3A_611 : vector<1x16xf32> to vector<16xf32>
      %get3A_613 = arith.index_cast %scan3A_21 : i32 to index
      %get3A_614 = arith.constant 672 : index
      %get3A_615 = tpu.vector_load %arg8[%get3A_613, %get3A_614] {strides = array<i32>} : memref<64x768xf32, #tpu.memory_space<vmem>>, vector<1x16xf32>,
      %get3A_616 = vector.shape_cast %get3A_615 : vector<1x16xf32> to vector<16xf32>
      %add3A_617 = arith.addf %get3A_612, %get3A_616 : vector<16xf32>
      %swap3A_618 = arith.index_cast %scan3A_21 : i32 to index
      %swap3A_619 = arith.constant 672 : index
      %swap3A_620 = tpu.vector_load %arg7[%swap3A_618, %swap3A_619] {strides = array<i32>} : memref<64x768xf32, #tpu.memory_space<vmem>>, vector<1x16xf32>,
      %swap3A_621 = vector.shape_cast %swap3A_620 : vector<1x16xf32> to vector<16xf32>
      %swap3A_622 = vector.shape_cast %add3A_617 : vector<16xf32> to vector<1x16xf32>
      tpu.vector_store %arg7[%swap3A_618, %swap3A_619], %swap3A_622 {strides = array<i32>} : memref<64x768xf32, #tpu.memory_space<vmem>>, vector<1x16xf32>,
      %get3A_623 = arith.index_cast %scan3A_21 : i32 to index
      %get3A_624 = arith.constant 688 : index
      %get3A_625 = tpu.vector_load %arg7[%get3A_623, %get3A_624] {strides = array<i32>} : memref<64x768xf32, #tpu.memory_space<vmem>>, vector<1x16xf32>,
      %get3A_626 = vector.shape_cast %get3A_625 : vector<1x16xf32> to vector<16xf32>
      %get3A_627 = arith.index_cast %scan3A_21 : i32 to index
      %get3A_628 = arith.constant 688 : index
      %get3A_629 = tpu.vector_load %arg8[%get3A_627, %get3A_628] {strides = array<i32>} : memref<64x768xf32, #tpu.memory_space<vmem>>, vector<1x16xf32>,
      %get3A_630 = vector.shape_cast %get3A_629 : vector<1x16xf32> to vector<16xf32>
      %add3A_631 = arith.addf %get3A_626, %get3A_630 : vector<16xf32>
      %swap3A_632 = arith.index_cast %scan3A_21 : i32 to index
      %swap3A_633 = arith.constant 688 : index
      %swap3A_634 = tpu.vector_load %arg7[%swap3A_632, %swap3A_633] {strides = array<i32>} : memref<64x768xf32, #tpu.memory_space<vmem>>, vector<1x16xf32>,
      %swap3A_635 = vector.shape_cast %swap3A_634 : vector<1x16xf32> to vector<16xf32>
      %swap3A_636 = vector.shape_cast %add3A_631 : vector<16xf32> to vector<1x16xf32>
      tpu.vector_store %arg7[%swap3A_632, %swap3A_633], %swap3A_636 {strides = array<i32>} : memref<64x768xf32, #tpu.memory_space<vmem>>, vector<1x16xf32>,
      %get3A_637 = arith.index_cast %scan3A_21 : i32 to index
      %get3A_638 = arith.constant 704 : index
      %get3A_639 = tpu.vector_load %arg7[%get3A_637, %get3A_638] {strides = array<i32>} : memref<64x768xf32, #tpu.memory_space<vmem>>, vector<1x16xf32>,
      %get3A_640 = vector.shape_cast %get3A_639 : vector<1x16xf32> to vector<16xf32>
      %get3A_641 = arith.index_cast %scan3A_21 : i32 to index
      %get3A_642 = arith.constant 704 : index
      %get3A_643 = tpu.vector_load %arg8[%get3A_641, %get3A_642] {strides = array<i32>} : memref<64x768xf32, #tpu.memory_space<vmem>>, vector<1x16xf32>,
      %get3A_644 = vector.shape_cast %get3A_643 : vector<1x16xf32> to vector<16xf32>
      %add3A_645 = arith.addf %get3A_640, %get3A_644 : vector<16xf32>
      %swap3A_646 = arith.index_cast %scan3A_21 : i32 to index
      %swap3A_647 = arith.constant 704 : index
      %swap3A_648 = tpu.vector_load %arg7[%swap3A_646, %swap3A_647] {strides = array<i32>} : memref<64x768xf32, #tpu.memory_space<vmem>>, vector<1x16xf32>,
      %swap3A_649 = vector.shape_cast %swap3A_648 : vector<1x16xf32> to vector<16xf32>
      %swap3A_650 = vector.shape_cast %add3A_645 : vector<16xf32> to vector<1x16xf32>
      tpu.vector_store %arg7[%swap3A_646, %swap3A_647], %swap3A_650 {strides = array<i32>} : memref<64x768xf32, #tpu.memory_space<vmem>>, vector<1x16xf32>,
      %get3A_651 = arith.index_cast %scan3A_21 : i32 to index
      %get3A_652 = arith.constant 720 : index
      %get3A_653 = tpu.vector_load %arg7[%get3A_651, %get3A_652] {strides = array<i32>} : memref<64x768xf32, #tpu.memory_space<vmem>>, vector<1x16xf32>,
      %get3A_654 = vector.shape_cast %get3A_653 : vector<1x16xf32> to vector<16xf32>
      %get3A_655 = arith.index_cast %scan3A_21 : i32 to index
      %get3A_656 = arith.constant 720 : index
      %get3A_657 = tpu.vector_load %arg8[%get3A_655, %get3A_656] {strides = array<i32>} : memref<64x768xf32, #tpu.memory_space<vmem>>, vector<1x16xf32>,
      %get3A_658 = vector.shape_cast %get3A_657 : vector<1x16xf32> to vector<16xf32>
      %add3A_659 = arith.addf %get3A_654, %get3A_658 : vector<16xf32>
      %swap3A_660 = arith.index_cast %scan3A_21 : i32 to index
      %swap3A_661 = arith.constant 720 : index
      %swap3A_662 = tpu.vector_load %arg7[%swap3A_660, %swap3A_661] {strides = array<i32>} : memref<64x768xf32, #tpu.memory_space<vmem>>, vector<1x16xf32>,
      %swap3A_663 = vector.shape_cast %swap3A_662 : vector<1x16xf32> to vector<16xf32>
      %swap3A_664 = vector.shape_cast %add3A_659 : vector<16xf32> to vector<1x16xf32>
      tpu.vector_store %arg7[%swap3A_660, %swap3A_661], %swap3A_664 {strides = array<i32>} : memref<64x768xf32, #tpu.memory_space<vmem>>, vector<1x16xf32>,
      %get3A_665 = arith.index_cast %scan3A_21 : i32 to index
      %get3A_666 = arith.constant 736 : index
      %get3A_667 = tpu.vector_load %arg7[%get3A_665, %get3A_666] {strides = array<i32>} : memref<64x768xf32, #tpu.memory_space<vmem>>, vector<1x16xf32>,
      %get3A_668 = vector.shape_cast %get3A_667 : vector<1x16xf32> to vector<16xf32>
      %get3A_669 = arith.index_cast %scan3A_21 : i32 to index
      %get3A_670 = arith.constant 736 : index
      %get3A_671 = tpu.vector_load %arg8[%get3A_669, %get3A_670] {strides = array<i32>} : memref<64x768xf32, #tpu.memory_space<vmem>>, vector<1x16xf32>,
      %get3A_672 = vector.shape_cast %get3A_671 : vector<1x16xf32> to vector<16xf32>
      %add3A_673 = arith.addf %get3A_668, %get3A_672 : vector<16xf32>
      %swap3A_674 = arith.index_cast %scan3A_21 : i32 to index
      %swap3A_675 = arith.constant 736 : index
      %swap3A_676 = tpu.vector_load %arg7[%swap3A_674, %swap3A_675] {strides = array<i32>} : memref<64x768xf32, #tpu.memory_space<vmem>>, vector<1x16xf32>,
      %swap3A_677 = vector.shape_cast %swap3A_676 : vector<1x16xf32> to vector<16xf32>
      %swap3A_678 = vector.shape_cast %add3A_673 : vector<16xf32> to vector<1x16xf32>
      tpu.vector_store %arg7[%swap3A_674, %swap3A_675], %swap3A_678 {strides = array<i32>} : memref<64x768xf32, #tpu.memory_space<vmem>>, vector<1x16xf32>,
      %get3A_679 = arith.index_cast %scan3A_21 : i32 to index
      %get3A_680 = arith.constant 752 : index
      %get3A_681 = tpu.vector_load %arg7[%get3A_679, %get3A_680] {strides = array<i32>} : memref<64x768xf32, #tpu.memory_space<vmem>>, vector<1x16xf32>,
      %get3A_682 = vector.shape_cast %get3A_681 : vector<1x16xf32> to vector<16xf32>
      %get3A_683 = arith.index_cast %scan3A_21 : i32 to index
      %get3A_684 = arith.constant 752 : index
      %get3A_685 = tpu.vector_load %arg8[%get3A_683, %get3A_684] {strides = array<i32>} : memref<64x768xf32, #tpu.memory_space<vmem>>, vector<1x16xf32>,
      %get3A_686 = vector.shape_cast %get3A_685 : vector<1x16xf32> to vector<16xf32>
      %add3A_687 = arith.addf %get3A_682, %get3A_686 : vector<16xf32>
      %swap3A_688 = arith.index_cast %scan3A_21 : i32 to index
      %swap3A_689 = arith.constant 752 : index
      %swap3A_690 = tpu.vector_load %arg7[%swap3A_688, %swap3A_689] {strides = array<i32>} : memref<64x768xf32, #tpu.memory_space<vmem>>, vector<1x16xf32>,
      %swap3A_691 = vector.shape_cast %swap3A_690 : vector<1x16xf32> to vector<16xf32>
      %swap3A_692 = vector.shape_cast %add3A_687 : vector<16xf32> to vector<1x16xf32>
      tpu.vector_store %arg7[%swap3A_688, %swap3A_689], %swap3A_692 {strides = array<i32>} : memref<64x768xf32, #tpu.memory_space<vmem>>, vector<1x16xf32>,
      %scan3A_693 = arith.constant 0 : i32
      scf.yield %scan3A_693 : i32
    }
    %scan3A_20 = arith.constant 64 : i32
    "tpu.region"() ({
      %run_scoped3A = tpu.sem_alloc : memref<!tpu.dma_semaphore, #tpu.memory_space<semaphore_mem>>
      %dma_start3A_21 = arith.constant 0 : i32
      %dma_start3A_22 = tpu.memref_slice %arg4[%mul3A_2, %dma_start3A_21] : memref<2048x768xf32, #tpu.memory_space<hbm>> -> memref<64x768xf32, #tpu.memory_space<hbm>>
      %dma_start3A_23 = arith.constant 0 : i32
      %dma_start3A_24 = tpu.memref_slice %arg4[%mul3A_2, %dma_start3A_23] : memref<2048x768xf32, #tpu.memory_space<hbm>> -> memref<64x768xf32, #tpu.memory_space<hbm>>
      tpu.enqueue_dma source(%arg7 : memref<64x768xf32, #tpu.memory_space<vmem>>) target(%dma_start3A_24 : memref<64x768xf32, #tpu.memory_space<hbm>>) target_semaphore(%run_scoped3A : memref<!tpu.dma_semaphore, #tpu.memory_space<semaphore_mem>>)
      %dma_wait3A_25 = arith.constant 0 : i32
      %dma_wait3A_26 = tpu.memref_slice %arg4[%mul3A_2, %dma_wait3A_25] : memref<2048x768xf32, #tpu.memory_space<hbm>> -> memref<64x768xf32, #tpu.memory_space<hbm>>
      %dma_wait3A_27 = arith.constant 0 : i32
      %dma_wait3A_28 = tpu.memref_slice %arg4[%mul3A_2, %dma_wait3A_27] : memref<2048x768xf32, #tpu.memory_space<hbm>> -> memref<64x768xf32, #tpu.memory_space<hbm>>
      tpu.wait_dma2 semaphore(%run_scoped3A : memref<!tpu.dma_semaphore, #tpu.memory_space<semaphore_mem>>) src(%arg7 : memref<64x768xf32, #tpu.memory_space<vmem>>) dst(%dma_wait3A_28 : memref<64x768xf32, #tpu.memory_space<hbm>>)
      tpu.yield
    }) : () -> ()
    return
  }
}

module attributes {stable_mosaic.version = 14 : i64} {
  func.func @_router_kernel(%arg0: memref<2048x768xf32, #tpu.memory_space<vmem>>, %arg1: memref<8x768xf32, #tpu.memory_space<vmem>>, %arg2: memref<1x4096xi32, #tpu.memory_space<vmem>>, %arg3: memref<1x4096xf32, #tpu.memory_space<vmem>>, %arg4: memref<2x24xi32, #tpu.memory_space<vmem>>) attributes {dimension_semantics = [], scalar_prefetch = 0 : i64, scratch_operands = 0 : i64, tpu.core_type = #tpu.core_type<tc>} {
    %get3A = arith.constant 0 : index
    %get3A_0 = arith.constant 0 : index
    %get3A_1 = vector.load %arg1[%get3A, %get3A_0] : memref<8x768xf32, #tpu.memory_space<vmem>>, vector<8x768xf32>
    %get3A_2 = arith.constant 0 : index
    %get3A_3 = arith.constant 0 : index
    %get3A_4 = vector.load %arg0[%get3A_2, %get3A_3] : memref<2048x768xf32, #tpu.memory_space<vmem>>, vector<2048x768xf32>
    %dot_general3A = arith.constant dense<0.000000e+00> : vector<8x2048xf32>
    %dot_general3A_5 = tpu.matmul %get3A_1, %get3A_4, %dot_general3A {dimension_numbers = #tpu.dot_dimension_numbers<[1], [1], [0], [0], [0, 0, 1, 0], [], []>, transpose_lhs_hint = false} : vector<8x768xf32>, vector<2048x768xf32>, vector<8x2048xf32> -> vector<8x2048xf32>
    %iota3A = tpu.iota {dimensions = array<i32: 0>} : vector<8x2048xi32>
    %reduce_max3A = arith.constant dense<0xFF800000> : vector<2048xf32>
    %reduce_max3A_6 = vector.multi_reduction <maximumf>, %dot_general3A_5, %reduce_max3A [0] : vector<8x2048xf32> to vector<2048xf32>
    %broadcast_in_dim3A = vector.shape_cast %reduce_max3A_6 : vector<2048xf32> to vector<1x2048xf32>
    %eq3A = vector.broadcast %broadcast_in_dim3A : vector<1x2048xf32> to vector<8x2048xf32>
    %eq3A_7 = arith.cmpf oeq, %dot_general3A_5, %eq3A : vector<8x2048xf32>
    %jit3A = arith.constant 8 : i32
    %broadcast_in_dim3A_8 = vector.broadcast %jit3A : i32 to vector<8x2048xi32>
    %select_n3A = arith.select %eq3A_7, %iota3A, %broadcast_in_dim3A_8 : vector<8x2048xi1>, vector<8x2048xi32>
    %reduce_min3A = arith.constant dense<2147483647> : vector<2048xi32>
    %reduce_min3A_9 = vector.multi_reduction <minsi>, %select_n3A, %reduce_min3A [0] : vector<8x2048xi32> to vector<2048xi32>
    %broadcast_in_dim3A_10 = vector.shape_cast %reduce_min3A_9 : vector<2048xi32> to vector<1x2048xi32>
    %eq3A_11 = vector.broadcast %broadcast_in_dim3A_10 : vector<1x2048xi32> to vector<8x2048xi32>
    %eq3A_12 = arith.cmpi eq, %iota3A, %eq3A_11 : vector<8x2048xi32>
    %jit3A_13 = arith.constant 0xFF800000 : f32
    %broadcast_in_dim3A_14 = vector.broadcast %jit3A_13 : f32 to vector<8x2048xf32>
    %select_n3A_15 = arith.select %eq3A_12, %broadcast_in_dim3A_14, %dot_general3A_5 : vector<8x2048xi1>, vector<8x2048xf32>
    %reduce_max3A_16 = arith.constant dense<0xFF800000> : vector<2048xf32>
    %reduce_max3A_17 = vector.multi_reduction <maximumf>, %select_n3A_15, %reduce_max3A_16 [0] : vector<8x2048xf32> to vector<2048xf32>
    %broadcast_in_dim3A_18 = vector.shape_cast %reduce_max3A_17 : vector<2048xf32> to vector<1x2048xf32>
    %eq3A_19 = vector.broadcast %broadcast_in_dim3A_18 : vector<1x2048xf32> to vector<8x2048xf32>
    %eq3A_20 = arith.cmpf oeq, %select_n3A_15, %eq3A_19 : vector<8x2048xf32>
    %jit3A_21 = arith.constant 8 : i32
    %broadcast_in_dim3A_22 = vector.broadcast %jit3A_21 : i32 to vector<8x2048xi32>
    %select_n3A_23 = arith.select %eq3A_20, %iota3A, %broadcast_in_dim3A_22 : vector<8x2048xi1>, vector<8x2048xi32>
    %reduce_min3A_24 = arith.constant dense<2147483647> : vector<2048xi32>
    %reduce_min3A_25 = vector.multi_reduction <minsi>, %select_n3A_23, %reduce_min3A_24 [0] : vector<8x2048xi32> to vector<2048xi32>
    %broadcast_in_dim3A_26 = vector.shape_cast %reduce_min3A_25 : vector<2048xi32> to vector<1x2048xi32>
    %sub3A = arith.subf %broadcast_in_dim3A_18, %broadcast_in_dim3A : vector<1x2048xf32>
    %exp3A = math.exp %sub3A : vector<1x2048xf32>
    %add3A = arith.constant 1.000000e+00 : f32
    %add3A_27 = vector.broadcast %add3A : f32 to vector<1x2048xf32>
    %add3A_28 = arith.addf %add3A_27, %exp3A : vector<1x2048xf32>
    %div3A = arith.constant 1.000000e+00 : f32
    %div3A_29 = vector.broadcast %div3A : f32 to vector<1x2048xf32>
    %div3A_30 = arith.divf %div3A_29, %add3A_28 : vector<1x2048xf32>
    %sub3A_31 = arith.constant 1.000000e+00 : f32
    %sub3A_32 = vector.broadcast %sub3A_31 : f32 to vector<1x2048xf32>
    %sub3A_33 = arith.subf %sub3A_32, %div3A_30 : vector<1x2048xf32>
    %concatenate3A = tpu.concatenate %broadcast_in_dim3A_10, %broadcast_in_dim3A_26 in 1 : vector<1x2048xi32>, vector<1x2048xi32> -> vector<1x4096xi32>
    %concatenate3A_34 = tpu.concatenate %div3A_30, %sub3A_33 in 1 : vector<1x2048xf32>, vector<1x2048xf32> -> vector<1x4096xf32>
    %swap3A = arith.constant 0 : index
    %swap3A_35 = arith.constant 0 : index
    %swap3A_36 = vector.load %arg3[%swap3A, %swap3A_35] : memref<1x4096xf32, #tpu.memory_space<vmem>>, vector<1x4096xf32>
    tpu.vector_store %arg3[%swap3A, %swap3A_35], %concatenate3A_34 {strides = array<i32>} : memref<1x4096xf32, #tpu.memory_space<vmem>>, vector<1x4096xf32>,
    %iota3A_37 = tpu.iota {dimensions = array<i32: 0>} : vector<8x4096xi32>
    %eq3A_38 = vector.broadcast %concatenate3A : vector<1x4096xi32> to vector<8x4096xi32>
    %eq3A_39 = arith.cmpi eq, %eq3A_38, %iota3A_37 : vector<8x4096xi32>
    %convert_element_type3A = arith.extui %eq3A_39 : vector<8x4096xi1> to vector<8x4096xi32>
    %convert_element_type3A_40 = arith.sitofp %convert_element_type3A : vector<8x4096xi32> to vector<8x4096xf32>
    %iota3A_41 = tpu.iota {dimensions = array<i32: 0>} : vector<1024x1024xi32>
    %iota3A_42 = tpu.iota {dimensions = array<i32: 1>} : vector<1024x1024xi32>
    %lt3A = arith.cmpi slt, %iota3A_41, %iota3A_42 : vector<1024x1024xi32>
    %convert_element_type3A_43 = arith.extui %lt3A : vector<1024x1024xi1> to vector<1024x1024xi32>
    %convert_element_type3A_44 = arith.sitofp %convert_element_type3A_43 : vector<1024x1024xi32> to vector<1024x1024xf32>
    %broadcast_in_dim3A_45 = arith.constant 0.000000e+00 : f32
    %broadcast_in_dim3A_46 = vector.broadcast %broadcast_in_dim3A_45 : f32 to vector<8x1xf32>
    %slice3A = vector.extract_strided_slice %convert_element_type3A_40 {offsets = [0, 0], sizes = [8, 1024], strides = [1, 1]} : vector<8x4096xf32> to vector<8x1024xf32>
    %dot_general3A_47 = arith.constant dense<0.000000e+00> : vector<8x1024xf32>
    %dot_general3A_48 = tpu.matmul %slice3A, %convert_element_type3A_44, %dot_general3A_47 {dimension_numbers = #tpu.dot_dimension_numbers<[1], [0], [0], [1], [0, 0, 1, 1], [], []>, transpose_lhs_hint = false} : vector<8x1024xf32>, vector<1024x1024xf32>, vector<8x1024xf32> -> vector<8x1024xf32>
    %add3A_49 = vector.broadcast %broadcast_in_dim3A_46 : vector<8x1xf32> to vector<8x1024xf32>
    %add3A_50 = arith.addf %dot_general3A_48, %add3A_49 : vector<8x1024xf32>
    %mul3A = arith.mulf %add3A_50, %slice3A : vector<8x1024xf32>
    %reduce_sum3A = arith.constant dense<0.000000e+00> : vector<1024xf32>
    %reduce_sum3A_51 = vector.multi_reduction <add>, %mul3A, %reduce_sum3A [0] : vector<8x1024xf32> to vector<1024xf32>
    %broadcast_in_dim3A_52 = vector.shape_cast %reduce_sum3A_51 : vector<1024xf32> to vector<1x1024xf32>
    %reduce_sum3A_53 = arith.constant dense<0.000000e+00> : vector<8xf32>
    %reduce_sum3A_54 = vector.multi_reduction <add>, %slice3A, %reduce_sum3A_53 [1] : vector<8x1024xf32> to vector<8xf32>
    %broadcast_in_dim3A_55 = vector.shape_cast %reduce_sum3A_54 : vector<8xf32> to vector<8x1xf32>
    %add3A_56 = arith.addf %broadcast_in_dim3A_46, %broadcast_in_dim3A_55 : vector<8x1xf32>
    %slice3A_57 = vector.extract_strided_slice %convert_element_type3A_40 {offsets = [0, 1024], sizes = [8, 1024], strides = [1, 1]} : vector<8x4096xf32> to vector<8x1024xf32>
    %dot_general3A_58 = arith.constant dense<0.000000e+00> : vector<8x1024xf32>
    %dot_general3A_59 = tpu.matmul %slice3A_57, %convert_element_type3A_44, %dot_general3A_58 {dimension_numbers = #tpu.dot_dimension_numbers<[1], [0], [0], [1], [0, 0, 1, 1], [], []>, transpose_lhs_hint = false} : vector<8x1024xf32>, vector<1024x1024xf32>, vector<8x1024xf32> -> vector<8x1024xf32>
    %add3A_60 = vector.broadcast %add3A_56 : vector<8x1xf32> to vector<8x1024xf32>
    %add3A_61 = arith.addf %dot_general3A_59, %add3A_60 : vector<8x1024xf32>
    %mul3A_62 = arith.mulf %add3A_61, %slice3A_57 : vector<8x1024xf32>
    %reduce_sum3A_63 = arith.constant dense<0.000000e+00> : vector<1024xf32>
    %reduce_sum3A_64 = vector.multi_reduction <add>, %mul3A_62, %reduce_sum3A_63 [0] : vector<8x1024xf32> to vector<1024xf32>
    %broadcast_in_dim3A_65 = vector.shape_cast %reduce_sum3A_64 : vector<1024xf32> to vector<1x1024xf32>
    %reduce_sum3A_66 = arith.constant dense<0.000000e+00> : vector<8xf32>
    %reduce_sum3A_67 = vector.multi_reduction <add>, %slice3A_57, %reduce_sum3A_66 [1] : vector<8x1024xf32> to vector<8xf32>
    %broadcast_in_dim3A_68 = vector.shape_cast %reduce_sum3A_67 : vector<8xf32> to vector<8x1xf32>
    %add3A_69 = arith.addf %add3A_56, %broadcast_in_dim3A_68 : vector<8x1xf32>
    %slice3A_70 = vector.extract_strided_slice %convert_element_type3A_40 {offsets = [0, 2048], sizes = [8, 1024], strides = [1, 1]} : vector<8x4096xf32> to vector<8x1024xf32>
    %dot_general3A_71 = arith.constant dense<0.000000e+00> : vector<8x1024xf32>
    %dot_general3A_72 = tpu.matmul %slice3A_70, %convert_element_type3A_44, %dot_general3A_71 {dimension_numbers = #tpu.dot_dimension_numbers<[1], [0], [0], [1], [0, 0, 1, 1], [], []>, transpose_lhs_hint = false} : vector<8x1024xf32>, vector<1024x1024xf32>, vector<8x1024xf32> -> vector<8x1024xf32>
    %add3A_73 = vector.broadcast %add3A_69 : vector<8x1xf32> to vector<8x1024xf32>
    %add3A_74 = arith.addf %dot_general3A_72, %add3A_73 : vector<8x1024xf32>
    %mul3A_75 = arith.mulf %add3A_74, %slice3A_70 : vector<8x1024xf32>
    %reduce_sum3A_76 = arith.constant dense<0.000000e+00> : vector<1024xf32>
    %reduce_sum3A_77 = vector.multi_reduction <add>, %mul3A_75, %reduce_sum3A_76 [0] : vector<8x1024xf32> to vector<1024xf32>
    %broadcast_in_dim3A_78 = vector.shape_cast %reduce_sum3A_77 : vector<1024xf32> to vector<1x1024xf32>
    %reduce_sum3A_79 = arith.constant dense<0.000000e+00> : vector<8xf32>
    %reduce_sum3A_80 = vector.multi_reduction <add>, %slice3A_70, %reduce_sum3A_79 [1] : vector<8x1024xf32> to vector<8xf32>
    %broadcast_in_dim3A_81 = vector.shape_cast %reduce_sum3A_80 : vector<8xf32> to vector<8x1xf32>
    %add3A_82 = arith.addf %add3A_69, %broadcast_in_dim3A_81 : vector<8x1xf32>
    %slice3A_83 = vector.extract_strided_slice %convert_element_type3A_40 {offsets = [0, 3072], sizes = [8, 1024], strides = [1, 1]} : vector<8x4096xf32> to vector<8x1024xf32>
    %dot_general3A_84 = arith.constant dense<0.000000e+00> : vector<8x1024xf32>
    %dot_general3A_85 = tpu.matmul %slice3A_83, %convert_element_type3A_44, %dot_general3A_84 {dimension_numbers = #tpu.dot_dimension_numbers<[1], [0], [0], [1], [0, 0, 1, 1], [], []>, transpose_lhs_hint = false} : vector<8x1024xf32>, vector<1024x1024xf32>, vector<8x1024xf32> -> vector<8x1024xf32>
    %add3A_86 = vector.broadcast %add3A_82 : vector<8x1xf32> to vector<8x1024xf32>
    %add3A_87 = arith.addf %dot_general3A_85, %add3A_86 : vector<8x1024xf32>
    %mul3A_88 = arith.mulf %add3A_87, %slice3A_83 : vector<8x1024xf32>
    %reduce_sum3A_89 = arith.constant dense<0.000000e+00> : vector<1024xf32>
    %reduce_sum3A_90 = vector.multi_reduction <add>, %mul3A_88, %reduce_sum3A_89 [0] : vector<8x1024xf32> to vector<1024xf32>
    %broadcast_in_dim3A_91 = vector.shape_cast %reduce_sum3A_90 : vector<1024xf32> to vector<1x1024xf32>
    %reduce_sum3A_92 = arith.constant dense<0.000000e+00> : vector<8xf32>
    %reduce_sum3A_93 = vector.multi_reduction <add>, %slice3A_83, %reduce_sum3A_92 [1] : vector<8x1024xf32> to vector<8xf32>
    %broadcast_in_dim3A_94 = vector.shape_cast %reduce_sum3A_93 : vector<8xf32> to vector<8x1xf32>
    %add3A_95 = arith.addf %add3A_82, %broadcast_in_dim3A_94 : vector<8x1xf32>
    %concatenate3A_96 = tpu.concatenate %broadcast_in_dim3A_52, %broadcast_in_dim3A_65, %broadcast_in_dim3A_78, %broadcast_in_dim3A_91 in 1 : vector<1x1024xf32>, vector<1x1024xf32>, vector<1x1024xf32>, vector<1x1024xf32> -> vector<1x4096xf32>
    %add3A_97 = arith.constant 2.550000e+02 : f32
    %add3A_98 = vector.broadcast %add3A_97 : f32 to vector<8x1xf32>
    %add3A_99 = arith.addf %add3A_95, %add3A_98 : vector<8x1xf32>
    %div3A_100 = arith.constant 2.560000e+02 : f32
    %div3A_101 = vector.broadcast %div3A_100 : f32 to vector<8x1xf32>
    %div3A_102 = arith.divf %add3A_99, %div3A_101 : vector<8x1xf32>
    %floor3A = math.floor %div3A_102 : vector<8x1xf32>
    %iota3A_103 = tpu.iota {dimensions = array<i32: 0>} : vector<8x8xi32>
    %iota3A_104 = tpu.iota {dimensions = array<i32: 1>} : vector<8x8xi32>
    %gt3A = arith.cmpi sgt, %iota3A_103, %iota3A_104 : vector<8x8xi32>
    %convert_element_type3A_105 = arith.extui %gt3A : vector<8x8xi1> to vector<8x8xi32>
    %convert_element_type3A_106 = arith.sitofp %convert_element_type3A_105 : vector<8x8xi32> to vector<8x8xf32>
    %dot_general3A_107 = arith.constant dense<0.000000e+00> : vector<8x1xf32>
    %dot_general3A_108 = tpu.matmul %convert_element_type3A_106, %floor3A, %dot_general3A_107 {dimension_numbers = #tpu.dot_dimension_numbers<[1], [0], [0], [1], [0, 0, 1, 1], [], []>, transpose_lhs_hint = false} : vector<8x8xf32>, vector<8x1xf32>, vector<8x1xf32> -> vector<8x1xf32>
    %mul3A_109 = arith.constant 2.560000e+02 : f32
    %mul3A_110 = vector.broadcast %mul3A_109 : f32 to vector<8x1xf32>
    %mul3A_111 = arith.mulf %dot_general3A_108, %mul3A_110 : vector<8x1xf32>
    %mul3A_112 = vector.broadcast %mul3A_111 : vector<8x1xf32> to vector<8x4096xf32>
    %mul3A_113 = arith.mulf %convert_element_type3A_40, %mul3A_112 : vector<8x4096xf32>
    %reduce_sum3A_114 = arith.constant dense<0.000000e+00> : vector<4096xf32>
    %reduce_sum3A_115 = vector.multi_reduction <add>, %mul3A_113, %reduce_sum3A_114 [0] : vector<8x4096xf32> to vector<4096xf32>
    %broadcast_in_dim3A_116 = vector.shape_cast %reduce_sum3A_115 : vector<4096xf32> to vector<1x4096xf32>
    %add3A_117 = arith.addf %broadcast_in_dim3A_116, %concatenate3A_96 : vector<1x4096xf32>
    %convert_element_type3A_118 = arith.fptosi %add3A_117 : vector<1x4096xf32> to vector<1x4096xi32>
    %swap3A_119 = arith.constant 0 : index
    %swap3A_120 = arith.constant 0 : index
    %swap3A_121 = vector.load %arg2[%swap3A_119, %swap3A_120] : memref<1x4096xi32, #tpu.memory_space<vmem>>, vector<1x4096xi32>
    tpu.vector_store %arg2[%swap3A_119, %swap3A_120], %convert_element_type3A_118 {strides = array<i32>} : memref<1x4096xi32, #tpu.memory_space<vmem>>, vector<1x4096xi32>,
    %iota3A_122 = tpu.iota {dimensions = array<i32: 1>} : vector<8x24xi32>
    %convert_element_type3A_123 = arith.sitofp %iota3A_122 : vector<8x24xi32> to vector<8x24xf32>
    %le3A = vector.broadcast %dot_general3A_108 : vector<8x1xf32> to vector<8x24xf32>
    %le3A_124 = arith.cmpf ole, %le3A, %convert_element_type3A_123 : vector<8x24xf32>
    %convert_element_type3A_125 = arith.extui %le3A_124 : vector<8x24xi1> to vector<8x24xi32>
    %reduce_sum3A_126 = arith.constant dense<0> : vector<24xi32>
    %reduce_sum3A_127 = vector.multi_reduction <add>, %convert_element_type3A_125, %reduce_sum3A_126 [0] : vector<8x24xi32> to vector<24xi32>
    %broadcast_in_dim3A_128 = vector.shape_cast %reduce_sum3A_127 : vector<24xi32> to vector<1x24xi32>
    %sub3A_129 = arith.constant 1 : i32
    %sub3A_130 = vector.broadcast %sub3A_129 : i32 to vector<1x24xi32>
    %sub3A_131 = arith.subi %broadcast_in_dim3A_128, %sub3A_130 : vector<1x24xi32>
    %swap3A_132 = arith.constant 0 : index
    %swap3A_133 = arith.constant 0 : index
    %swap3A_134 = vector.load %arg4[%swap3A_132, %swap3A_133] : memref<2x24xi32, #tpu.memory_space<vmem>>, vector<1x24xi32>
    tpu.vector_store %arg4[%swap3A_132, %swap3A_133], %sub3A_131 {strides = array<i32>} : memref<2x24xi32, #tpu.memory_space<vmem>>, vector<1x24xi32>,
    %reduce_sum3A_135 = arith.constant dense<0.000000e+00> : vector<1xf32>
    %reduce_sum3A_136 = vector.multi_reduction <add>, %floor3A, %reduce_sum3A_135 [0] : vector<8x1xf32> to vector<1xf32>
    %broadcast_in_dim3A_137 = vector.shape_cast %reduce_sum3A_136 : vector<1xf32> to vector<1x1xf32>
    %slice3A_138 = vector.extract_strided_slice %convert_element_type3A_123 {offsets = [0, 0], sizes = [1, 24], strides = [1, 1]} : vector<8x24xf32> to vector<1x24xf32>
    %lt3A_139 = vector.broadcast %broadcast_in_dim3A_137 : vector<1x1xf32> to vector<1x24xf32>
    %lt3A_140 = arith.cmpf olt, %slice3A_138, %lt3A_139 : vector<1x24xf32>
    %convert_element_type3A_141 = arith.extui %lt3A_140 : vector<1x24xi1> to vector<1x24xi32>
    %swap3A_142 = arith.constant 1 : index
    %swap3A_143 = arith.constant 0 : index
    %swap3A_144 = vector.load %arg4[%swap3A_142, %swap3A_143] : memref<2x24xi32, #tpu.memory_space<vmem>>, vector<1x24xi32>
    tpu.vector_store %arg4[%swap3A_142, %swap3A_143], %convert_element_type3A_141 {strides = array<i32>} : memref<2x24xi32, #tpu.memory_space<vmem>>, vector<1x24xi32>,
    return
  }
}

module attributes {stable_mosaic.version = 14 : i64} {
  func.func @_gemm_kernel(%arg0: i32, %arg1: memref<2x24xi32, #tpu.memory_space<smem>>, %arg2: memref<256x768xf32, #tpu.memory_space<vmem>>, %arg3: memref<256x128xf32, #tpu.memory_space<vmem>>, %arg4: memref<1x768x768xf32, #tpu.memory_space<vmem>>, %arg5: memref<1x768x768xf32, #tpu.memory_space<vmem>>, %arg6: memref<1x768x768xf32, #tpu.memory_space<vmem>>, %arg7: memref<256x768xf32, #tpu.memory_space<vmem>>) attributes {dimension_semantics = [#tpu.dimension_semantics<arbitrary>], iteration_bounds = array<i64: 23>, scalar_prefetch = 1 : i64, scratch_operands = 0 : i64, tpu.core_type = #tpu.core_type<tc>, window_params = [{transform_indices = @transform_0, window_bounds = array<i64: 256, 768>}, {transform_indices = @transform_1, window_bounds = array<i64: 256, 128>}, {transform_indices = @transform_2, window_bounds = array<i64: 1, 768, 768>}, {transform_indices = @transform_3, window_bounds = array<i64: 1, 768, 768>}, {transform_indices = @transform_4, window_bounds = array<i64: 1, 768, 768>}, {transform_indices = @transform_5, window_bounds = array<i64: 256, 768>}]} {
    %get3A = arith.constant 1 : index
    %get3A_0 = arith.index_cast %arg0 : i32 to index
    %get3A_1 = memref.load %arg1[%get3A, %get3A_0] : memref<2x24xi32, #tpu.memory_space<smem>>
    %eq3A = arith.constant 1 : i32
    %eq3A_2 = arith.cmpi eq, %get3A_1, %eq3A : i32
    %convert_element_type3A = arith.extui %eq3A_2 : i1 to i32
    %cond3A = arith.constant 0 : i32
    %cond3A_3 = arith.cmpi ne, %convert_element_type3A, %cond3A : i32
    scf.if %cond3A_3 {
      %get3A_4 = arith.constant 0 : index
      %get3A_5 = arith.constant 0 : index
      %get3A_6 = vector.load %arg2[%get3A_4, %get3A_5] : memref<256x768xf32, #tpu.memory_space<vmem>>, vector<256x768xf32>
      %get3A_7 = arith.constant 0 : index
      %get3A_8 = arith.constant 0 : index
      %get3A_9 = arith.constant 0 : index
      %get3A_10 = vector.load %arg4[%get3A_7, %get3A_8, %get3A_9] : memref<1x768x768xf32, #tpu.memory_space<vmem>>, vector<1x768x768xf32>
      %get3A_11 = vector.shape_cast %get3A_10 : vector<1x768x768xf32> to vector<768x768xf32>
      %dot_general3A = arith.constant dense<0.000000e+00> : vector<256x768xf32>
      %dot_general3A_12 = tpu.matmul %get3A_6, %get3A_11, %dot_general3A {dimension_numbers = #tpu.dot_dimension_numbers<[1], [1], [0], [0], [0, 0, 1, 0], [], []>, transpose_lhs_hint = false} : vector<256x768xf32>, vector<768x768xf32>, vector<256x768xf32> -> vector<256x768xf32>
      %get3A_13 = arith.constant 0 : index
      %get3A_14 = arith.constant 0 : index
      %get3A_15 = arith.constant 0 : index
      %get3A_16 = vector.load %arg5[%get3A_13, %get3A_14, %get3A_15] : memref<1x768x768xf32, #tpu.memory_space<vmem>>, vector<1x768x768xf32>
      %get3A_17 = vector.shape_cast %get3A_16 : vector<1x768x768xf32> to vector<768x768xf32>
      %dot_general3A_18 = arith.constant dense<0.000000e+00> : vector<256x768xf32>
      %dot_general3A_19 = tpu.matmul %get3A_6, %get3A_17, %dot_general3A_18 {dimension_numbers = #tpu.dot_dimension_numbers<[1], [1], [0], [0], [0, 0, 1, 0], [], []>, transpose_lhs_hint = false} : vector<256x768xf32>, vector<768x768xf32>, vector<256x768xf32> -> vector<256x768xf32>
      %logistic3A = arith.negf %dot_general3A_12 : vector<256x768xf32>
      %logistic3A_20 = math.exp %logistic3A : vector<256x768xf32>
      %logistic3A_21 = arith.constant 1.000000e+00 : f32
      %logistic3A_22 = vector.broadcast %logistic3A_21 : f32 to vector<256x768xf32>
      %logistic3A_23 = arith.addf %logistic3A_22, %logistic3A_20 : vector<256x768xf32>
      %logistic3A_24 = arith.divf %logistic3A_22, %logistic3A_23 : vector<256x768xf32>
      %mul3A = arith.mulf %dot_general3A_12, %logistic3A_24 : vector<256x768xf32>
      %mul3A_25 = arith.mulf %mul3A, %dot_general3A_19 : vector<256x768xf32>
      %get3A_26 = arith.constant 0 : index
      %get3A_27 = arith.constant 0 : index
      %get3A_28 = arith.constant 0 : index
      %get3A_29 = vector.load %arg6[%get3A_26, %get3A_27, %get3A_28] : memref<1x768x768xf32, #tpu.memory_space<vmem>>, vector<1x768x768xf32>
      %get3A_30 = vector.shape_cast %get3A_29 : vector<1x768x768xf32> to vector<768x768xf32>
      %dot_general3A_31 = arith.constant dense<0.000000e+00> : vector<256x768xf32>
      %dot_general3A_32 = tpu.matmul %mul3A_25, %get3A_30, %dot_general3A_31 {dimension_numbers = #tpu.dot_dimension_numbers<[1], [1], [0], [0], [0, 0, 1, 0], [], []>, transpose_lhs_hint = false} : vector<256x768xf32>, vector<768x768xf32>, vector<256x768xf32> -> vector<256x768xf32>
      %get3A_33 = arith.constant 0 : index
      %get3A_34 = arith.constant 0 : index
      %get3A_35 = vector.load %arg3[%get3A_33, %get3A_34] : memref<256x128xf32, #tpu.memory_space<vmem>>, vector<256x1xf32>
      %mul3A_36 = vector.broadcast %get3A_35 : vector<256x1xf32> to vector<256x768xf32>
      %mul3A_37 = arith.mulf %dot_general3A_32, %mul3A_36 : vector<256x768xf32>
      %swap3A = arith.constant 0 : index
      %swap3A_38 = arith.constant 0 : index
      %swap3A_39 = vector.load %arg7[%swap3A, %swap3A_38] : memref<256x768xf32, #tpu.memory_space<vmem>>, vector<256x768xf32>
      tpu.vector_store %arg7[%swap3A, %swap3A_38], %mul3A_37 {strides = array<i32>} : memref<256x768xf32, #tpu.memory_space<vmem>>, vector<256x768xf32>,
    } else {
    }
    return
  }
  func.func @transform_0(%arg0: i32, %arg1: memref<2x24xi32, #tpu.memory_space<smem>>) -> (i32, i32) {
    %c0_i32 = arith.constant 0 : i32
    %c0_i32_0 = arith.constant 0 : i32
    return %arg0, %c0_i32 : i32, i32
  }
  func.func @transform_1(%arg0: i32, %arg1: memref<2x24xi32, #tpu.memory_space<smem>>) -> (i32, i32) {
    %c0_i32 = arith.constant 0 : i32
    %c0_i32_0 = arith.constant 0 : i32
    return %arg0, %c0_i32 : i32, i32
  }
  func.func @transform_2(%arg0: i32, %arg1: memref<2x24xi32, #tpu.memory_space<smem>>) -> (i32, i32, i32) {
    %get3A = arith.constant 0 : index
    %get3A_0 = arith.index_cast %arg0 : i32 to index
    %get3A_1 = memref.load %arg1[%get3A, %get3A_0] : memref<2x24xi32, #tpu.memory_space<smem>>
    %c0_i32 = arith.constant 0 : i32
    %c0_i32_2 = arith.constant 0 : i32
    %c0_i32_3 = arith.constant 0 : i32
    return %get3A_1, %c0_i32, %c0_i32_2 : i32, i32, i32
  }
  func.func @transform_3(%arg0: i32, %arg1: memref<2x24xi32, #tpu.memory_space<smem>>) -> (i32, i32, i32) {
    %get3A = arith.constant 0 : index
    %get3A_0 = arith.index_cast %arg0 : i32 to index
    %get3A_1 = memref.load %arg1[%get3A, %get3A_0] : memref<2x24xi32, #tpu.memory_space<smem>>
    %c0_i32 = arith.constant 0 : i32
    %c0_i32_2 = arith.constant 0 : i32
    %c0_i32_3 = arith.constant 0 : i32
    return %get3A_1, %c0_i32, %c0_i32_2 : i32, i32, i32
  }
  func.func @transform_4(%arg0: i32, %arg1: memref<2x24xi32, #tpu.memory_space<smem>>) -> (i32, i32, i32) {
    %get3A = arith.constant 0 : index
    %get3A_0 = arith.index_cast %arg0 : i32 to index
    %get3A_1 = memref.load %arg1[%get3A, %get3A_0] : memref<2x24xi32, #tpu.memory_space<smem>>
    %c0_i32 = arith.constant 0 : i32
    %c0_i32_2 = arith.constant 0 : i32
    %c0_i32_3 = arith.constant 0 : i32
    return %get3A_1, %c0_i32, %c0_i32_2 : i32, i32, i32
  }
  func.func @transform_5(%arg0: i32, %arg1: memref<2x24xi32, #tpu.memory_space<smem>>) -> (i32, i32) {
    %c0_i32 = arith.constant 0 : i32
    %c0_i32_0 = arith.constant 0 : i32
    return %arg0, %c0_i32 : i32, i32
  }
}

</mosaic_0001>

<sc_bundles>
// kernel: kernel.6.cloned.1.call-start
scs
__scs_entry_jumppad:
0x0: {  	(pc) =	sbr.rel $0x88, $3  }
0x1: {  	(tag) =	ssettag $0x0;
	lr =	simm.s32 $0x1  }
0x2: {  	[smem:$0x3F9C] =	sst lr;
	_ =	strace $0xD0000000  }
0x3: {  	_ = 	snop  }
0x4: {  	_ = 	snop  }
0x5: {  	_ = 	snop  }
0x6: {  	_ = 	snop  }
0x7: {  	_ = 	snop  }
__scs_overlays_trampoline_lowered:
0x8: {  	[smem:$0x3FAB] =	sst s0  }
0x9: {  	[smem:$0x3FAC] =	sst s1  }
0xa: {  	[smem:$0x3FAD] =	sst s2  }
0xb: {  	[smem:$0x3FAE] =	sst s3  }
0xc: {  	[smem:$0x3FAF] =	sst s4  }
0xd: {  	[smem:$0x3FB0] =	sst s5  }
0xe: {  	[smem:$0x3FB1] =	sst s6  }
0xf: {  	[smem:$0x3FB2] =	sst s7  }
0x10: {  	[smem:$0x3FB3] =	sst s8  }
0x11: {  	[smem:$0x3FB4] =	sst s9;
	s0 =	simm.s32 @!p0 $0x0  }
0x12: {  	s1 =	sld [smem:$0x3F9A];
	s0 =	simm.s32 @p0 $0x1  }
0x13: {  	[smem:$0x3FB5] =	sst s0;
	s0 =	simm.s32 @!p1 $0x0  }
0x14: {  	s2 =	sld [smem:$0x3F99];
	s0 =	simm.s32 @p1 $0x1  }
0x15: {  	[smem:$0x3FB6] =	sst s0;
	s0 =	simm.s32 @!p2 $0x0  }
0x16: {  	s3 =	sld [smem:$0x3FDB];
	s0 =	simm.s32 @p2 $0x1  }
0x17: {  	s4 =	simm.s32 $0x1BF5;
	[smem:$0x3FB8] =	sst s0  }
0x18: {  	s0 =	sld [smem:$0x3F9B];
	_ =	swait.ge [sflag:s4], $0x0  }
0x19: {  	s7 =	sld [smem:$0x3F9C]  }
0x1a: {  	s8 =	sadd.s32 $0xFFFFE003, lr  }
0x1b: {  	s9 =	sadd.s32 $0xFFFFFEF7, lr;
	s5 =	simm.s32 $0xFFFFFFFF;
	p2 =	slt.u32 s8, $0xFFFFF086  }
0x1c: {  	p1 =	slt.u32 s9, $0xF7A;
	s5 =	simm.s32 @!p2 $0x0  }
0x1d: {  	s5 =	simm.s32 @p1 $0x1;
	p0 =	seq.s32 s7, s2  }
0x1e: {  	s7 =	smul.u32 @!p0 $0xF7A, s2;
	p2 =	seq.s32 @!p0 s5, $0x0  }
0x1f: {  	s9 =	smul.u32 $0xF7A, s1;
	s8 =	simm.s32 @!p0 $0x1BF5;
	p2 =	por !p2, p0  }
0x20: {  	[sflag:s8] =	ssyncset.s32 @!p0 $0xFFFFF086;
	s6 =	sadd.s32 @!p0 s3, s7;
	s7 =	simm.s32 @!p0 $0x108  }
0x21: {  	s3 =	sadd.s32 s3, s9;
	s6 =	sadd.s32 @!p0 $0x88, s6;
	s7 =	simm.s32 @p2 $0x1082  }
0x22: {  	[simem:s7], [sflag:s8] =	dma.local @!p0 [hbm:s6], $0xF7A  }
0x23: {  	s9 =	sor.u32 $0xD0000000, s2;
	s6 =	simm.s32 $0x108;
	_ =	swait.ge @!p0 [sflag:s8], $0x0  }
0x24: {  	s3 =	sadd.s32 $0x88, s3;
	s6 =	simm.s32 @!p1 $0x1082;
	[sflag:s4] =	ssyncset.s32 $0xFFFFF086  }
0x25: {  	[simem:s6], [sflag:s4] =	dma.local [hbm:s3], $0xF7A  }
0x26: {  	[smem:$0x3F9C] =	sst s1;
	(tag) =	ssettag s2;
	_ =	strace s9  }
0x27: {  	s1 =	sld [smem:$0x3FAC]  }
0x28: {  	s2 =	sld [smem:$0x3FAD]  }
0x29: {  	s4 =	sld [smem:$0x3FAF]  }
0x2a: {  	p0 =	seq.s32 s5, $0x0;
	s5 =	sld [smem:$0x3FB0]  }
0x2b: {  	s6 =	sld [smem:$0x3FB1]  }
0x2c: {  	s7 =	sld [smem:$0x3FB2]  }
0x2d: {  	s3 =	simm.s32 $0x108;
	s8 =	sld [smem:$0x3FB3]  }
0x2e: {  	s3 =	simm.s32 @!p0 $0x1082;
	s9 =	sld [smem:$0x3FB4]  }
0x2f: {  	lr =	sadd.s32 s0, s3;
	s0 =	sld [smem:$0x3FAB]  }
0x30: {  	s3 =	sld [smem:$0x3FAE]  }
0x31: {  	[smem:$0x3FB7] =	sst s10  }
0x32: {  	s10 =	sld [smem:$0x3FB5];
	_ =	sdelay $0x3  }
0x33: {  	p0 =	seq.s32 s10, $0x1;
	s10 =	sld [smem:$0x3FB7];
	_ =	sdelay $0x3  }
0x34: {  	[smem:$0x3FB7] =	sst s10  }
0x35: {  	s10 =	sld [smem:$0x3FB6];
	_ =	sdelay $0x3  }
0x36: {  	p1 =	seq.s32 s10, $0x1;
	s10 =	sld [smem:$0x3FB7];
	_ =	sdelay $0x3  }
0x37: {  	[smem:$0x3FB7] =	sst s10  }
0x38: {  	s10 =	sld [smem:$0x3FB8]  }
0x39: {  	_ = 	snop;
	(pc) =	sbr.ind lr, $3  }
0x3a: {  	_ = 	snop  }
0x3b: {  	_ = 	snop  }
0x3c: {  	p2 =	seq.s32 s10, $0x1;
	s10 =	sld [smem:$0x3FB7]  }
0x3d: {  	_ =	shalt  }
0x3e: {  	_ =	shalt  }
0x3f: {  	_ =	shalt  }
0x40: {  	_ =	shalt  }
0x41: {  	_ =	shalt  }
0x42: {  	_ =	shalt  }
0x43: {  	_ =	shalt  }
0x44: {  	_ =	shalt  }
0x45: {  	_ =	shalt  }
0x46: {  	_ =	shalt  }
0x47: {  	_ =	shalt  }
0x48: {  	_ =	shalt  }
0x49: {  	_ =	shalt  }
0x4a: {  	_ =	shalt  }
0x4b: {  	_ =	shalt  }
0x4c: {  	_ =	shalt  }
0x4d: {  	_ =	shalt  }
0x4e: {  	_ =	shalt  }
0x4f: {  	_ =	shalt  }
0x50: {  	_ =	shalt  }
0x51: {  	_ =	shalt  }
0x52: {  	_ =	shalt  }
0x53: {  	_ =	shalt  }
0x54: {  	_ =	shalt  }
0x55: {  	_ =	shalt  }
0x56: {  	_ =	shalt  }
0x57: {  	_ =	shalt  }
0x58: {  	_ =	shalt  }
0x59: {  	_ =	shalt  }
0x5a: {  	_ =	shalt  }
0x5b: {  	_ =	shalt  }
0x5c: {  	_ =	shalt  }
0x5d: {  	_ =	shalt  }
0x5e: {  	_ =	shalt  }
0x5f: {  	_ =	shalt  }
0x60: {  	_ =	shalt  }
0x61: {  	_ =	shalt  }
0x62: {  	_ =	shalt  }
0x63: {  	_ =	shalt  }
0x64: {  	_ =	shalt  }
0x65: {  	_ =	shalt  }
0x66: {  	_ =	shalt  }
0x67: {  	_ =	shalt  }
0x68: {  	_ =	shalt  }
0x69: {  	_ =	shalt  }
0x6a: {  	_ =	shalt  }
0x6b: {  	_ =	shalt  }
0x6c: {  	_ =	shalt  }
0x6d: {  	_ =	shalt  }
0x6e: {  	_ =	shalt  }
0x6f: {  	_ =	shalt  }
0x70: {  	_ =	shalt  }
0x71: {  	_ =	shalt  }
0x72: {  	_ =	shalt  }
0x73: {  	_ =	shalt  }
0x74: {  	_ =	shalt  }
0x75: {  	_ =	shalt  }
0x76: {  	_ =	shalt  }
0x77: {  	_ =	shalt  }
0x78: {  	_ =	shalt  }
0x79: {  	_ =	shalt  }
0x7a: {  	_ =	shalt  }
0x7b: {  	_ =	shalt  }
0x7c: {  	_ =	shalt  }
0x7d: {  	_ =	shalt  }
0x7e: {  	_ =	shalt  }
0x7f: {  	_ =	shalt  }
0x80: {  	_ =	shalt  }
0x81: {  	_ =	shalt  }
0x82: {  	_ =	shalt  }
0x83: {  	_ =	shalt  }
0x84: {  	_ =	shalt  }
0x85: {  	_ =	shalt  }
0x86: {  	_ =	shalt  }
0x87: {  	_ =	shalt  }
.Lfunc_end0:
.L_simem_size_0:
called_computation_lowered:
.L_overlay_start_0:
0x88: {  	s2 =	sld [smem:$0x3FD9]  }
0x89: {  	s3 =	sld [smem:$0x3FFE];
	_ =	sdelay $0x1  }
0x8a: {  	s1 =	srdreg.scid  }
0x8b: {  	s0 =	sand.u32 $0x1, s1  }
0x8c: {  	s17 =	sshll.u32 s0, $0xA;
	s2 =	sadd.s32 s3, s2  }
0x8d: {  	s2 =	sadd.s32 s2, s17  }
0x8e: {  	[smem:$0x3FC3] =	sst s2  }
0x8f: {  	_ = 	snop  }
0x90: {  	s2 =	sld [smem:$0x3FC9]  }
0x91: {  	s18 =	sld [smem:$0x3FD0];
	(tm) =	ssettm $0x1  }
0x92: {  	s4 =	sld [smem:$0x3FFB];
	_ =	sdelay $0x3  }
0x93: {  	_ =	strace s4  }
0x94: {  	s4 =	sld [smem:$0x3FFC];
	_ =	sdelay $0x3  }
0x95: {  	_ =	strace s4  }
0x96: {  	s4 =	sld [smem:$0x3FFD];
	_ =	sdelay $0x3  }
0x97: {  	_ =	strace s4  }
0x98: {  	_ =	strace $0x8FFFFFFF  }
0x99: {  	s19 =	sld [smem:$0x3FDB];
	_ =	sdelay $0x1  }
0x9a: {  	s5 =	simm.s32 $_scs_section_size  }
0x9b: {  	s6 =	simm.s32 $_size__tile_overlayer_lowered;
	s7 =	simm.s32 $_tile_overlayer_lowered  }
0x9c: {  	s22 =	simm.s32 $0x1BFF;
	s21 =	sshll.u32 s7, $0x1;
	s4 =	sadd.s32 s5, s19  }
0x9d: {  	s8 =	simm.s32 $0x0;
	s20 =	sshll.u32 s6, $0x1;
	s6 =	sadd.s32 s21, s4  }
0x9e: {  	[timem:s8], [sflag:s22] =	dma.local [hbm:s6], s20  }
0x9f: {  	_ =	swait.ge [sflag:s22], s20  }
0xa0: {  	s5 =	ssub.s32 $0x0, s20;
	[sflag:s22] =	ssyncset.done $0x0  }
0xa1: {  	[sflag:s22] =	ssyncadd.s32 s5;
	_ =	sdelay $0x1  }
0xa2: {  	s23 =	simm.s32 $0x1B8B  }
0xa3: {  	_ =	swait.ge [sflag:s23], $0x1  }
0xa4: {  	[sflag:s23] =	ssyncset.done $0x0  }
0xa5: {  	s25 =	simm.s32 $0x1B8E;
	s24 =	sld [smem:$0x3FFE];
	[sflag:s23] =	ssyncadd.s32 $0xFFFFFFFF  }
0xa6: {  	s26 =	simm.s32 $execute0_lowered;
	[smem:$0x3FD2] =	sst s25  }
0xa7: {  	s6 =	sshll.u32 s26, $0x1;
	_ =	strace $0x80000046;
	[dreg:$0x1] =	wrdreg $0xFFFFFFFF  }
0xa8: {  	s28 =	simm.s32 $_size_execute0_lowered;
	s4 =	sadd.s32 s4, s6;
	[dreg:$0x0] =	wrdreg $0x0  }
0xa9: {  	s6 =	sshll.u32 s28, $0x1;
	[dreg:$0x2] =	wrdreg s4  }
0xaa: {  	[dreg:$0x3] =	wrdreg s6  }
0xab: {  	[dreg:$0x4] =	wrdreg $0xC0  }
0xac: {  	_ =	task [dreg:s8], $0x5FFFF  }
0xad: {  	[dreg:$0x1] =	wrdreg $0xFFFFFFFF  }
0xae: {  	[dreg:$0x0] =	wrdreg $0x60  }
0xaf: {  	[dreg:$0x2] =	wrdreg s2  }
0xb0: {  	[dreg:$0x3] =	wrdreg s24  }
0xb1: {  	[dreg:$0x4] =	wrdreg s18  }
0xb2: {  	[dreg:$0x5] =	wrdreg $0x9  }
0xb3: {  	_ =	task.clear_ibuf [dreg:s8], $0x6FFFF;
	_ =	strace $0x90000046  }
0xb4: {  	s29 =	simm.s32 $0x9;
	_ =	strace $0x80000048  }
0xb5: {  	_ =	swait.ge [sflag:s29], $0x1  }
0xb6: {  	[sflag:s29] =	ssyncadd.s32 $0xFFFFFFFF  }
0xb7: {  	_ =	strace $0x90000048  }
0xb8: {  	_ =	sfence  }
0xb9: {  	s30 =	sld [smem:$0x0];
	_ =	sdelay $0x2  }
0xba: {  	s31 =	sshll.u32 s1, $0xD;
	s1 =	sshrl.u32 s1, $0x2  }
0xbb: {  	s3 =	sand.u32 $0x4000, s31;
	s1 =	sadd.s32 s1, s30  }
0xbc: {  	s0 =	sor.u32 s3, s0;
	s1 =	sshll.u32 s1, $0x11  }
0xbd: {  	s0 =	sor.u32 s1, s0  }
0xbe: {  	s0 =	sadd.s32 $0x8F2B, s0  }
0xbf: {  	[sflag:s0] =	ssyncadd.remote.s32 $0x1  }
0xc0: {  	_ =	sfence.sel $0xFFFF  }
0xc1: {  	[dreg:$0x0] =	wrdreg $0xFFFFFFFF;
	(pc) =	sbr.abs _section_cstart, $3  }
0xc2: {  	[dreg:$0x1] =	wrdreg $0xFFFFFFFF  }
0xc3: {  	_ =	task.clear_ibuf [dreg:s8], $0x2FFFF;
	_ =	strace $0x9FFFFFFF  }
0xc4: {  	(tm) =	ssettm $0x7FFFFFFF  }
0xc5: {  	_ =	shalt  }
tec
execute0_lowered:
.L_overlay_start_1:
0x0: {  	(tag) =	ssettag $0x1  }
0x1: {  	s1 =	srdreg.scid;
	s3 =	rddreg [dreg:$0x0]  }
0x2: {  	s0 =	stileid.u32;
	s6 =	rddreg [dreg:$0x2];
	s4 =	sand.u32 $0x1, s1  }
0x3: {  	s1 =	rddreg [dreg:$0x1];
	s2 =	sshll.u32 s0, $0x8;
	s5 =	sshll.u32 s4, $0x7  }
0x4: {  	[dreg:$0x4] =	wrdreg s6;
	s5 =	sor.u32 s5, s2;
	s2 =	simm.s32 $0x0  }
0x5: {  	s23 =	simm.s32 $0x880;
	[smem:$0x7FF] =	sst s2  }
0x6: {  	s24 =	simm.s32 $0x1080;
	_ =	strace $0x80000047;
	[dreg:$0x8] =	wrdreg s23  }
0x7: {  	s25 =	simm.s32 $0x1880;
	[dreg:$0x9] =	wrdreg s24  }
0x8: {  	s26 =	simm.s32 $0x2080;
	[dreg:$0xa] =	wrdreg s25  }
0x9: {  	s0 =	simm.s32 $0x2880;
	[dreg:$0xb] =	wrdreg s26  }
0xa: {  	s8 =	simm.s32 $0x4880;
	[dreg:$0xc] =	wrdreg s0  }
0xb: {  	s9 =	simm.s32 $0x5080;
	s10 =	simm.s32 $0x5880;
	[dreg:$0x10] =	wrdreg s8  }
0xc: {  	s11 =	simm.s32 $0x6080;
	s12 =	simm.s32 $0x6880;
	[dreg:$0x11] =	wrdreg s9  }
0xd: {  	s13 =	simm.s32 $0x7080;
	s14 =	simm.s32 $0x7880;
	[dreg:$0x12] =	wrdreg s10  }
0xe: {  	s15 =	simm.s32 $0x8080;
	s16 =	simm.s32 $0x8880;
	[dreg:$0x13] =	wrdreg s11  }
0xf: {  	s17 =	simm.s32 $0x9080;
	s18 =	simm.s32 $0x9880;
	[dreg:$0x14] =	wrdreg s12  }
0x10: {  	s20 =	simm.s32 $0xA080;
	s28 =	simm.s32 $0x16080;
	[dreg:$0x15] =	wrdreg s13  }
0x11: {  	s29 =	simm.s32 $0x16880;
	s30 =	simm.s32 $0x17080;
	[dreg:$0x16] =	wrdreg s14  }
0x12: {  	s31 =	simm.s32 $0x17880;
	s4 =	ssub.s32 $0x2, s4;
	[dreg:$0x17] =	wrdreg s15  }
0x13: {  	s19 =	sshrl.u32 s4, $0x1;
	s21 =	sshrl.u32 s5, $0x3;
	[dreg:$0x18] =	wrdreg s16  }
0x14: {  	s5 =	sshll.u32 s5, $0x4;
	s7 =	sand.u32 $0xF0, s21;
	[dreg:$0x19] =	wrdreg s17  }
0x15: {  	s6 =	sadd.s32 s21, s1;
	s5 =	sadd.s32 s5, s1;
	[dreg:$0x1a] =	wrdreg s18  }
0x16: {  	[dreg:$0x1b] =	wrdreg s20;
	s21 =	simm.s32 $0xA880;
	s23 =	simm.s32 $0xB880  }
0x17: {  	s24 =	simm.s32 $0xC080;
	s25 =	simm.s32 $0xC880;
	s8 =	simm.s32 $0x80  }
0x18: {  	s26 =	simm.s32 $0xD080;
	s9 =	simm.s32 $0x18080;
	s11 =	simm.s32 $0xE080  }
0x19: {  	s12 =	simm.s32 $0xE880;
	s13 =	simm.s32 $0xF080;
	s14 =	simm.s32 $0xF880  }
0x1a: {  	s15 =	simm.s32 $0x10080;
	s16 =	simm.s32 $0x10880;
	[dreg:$0x1c] =	wrdreg s21  }
0x1b: {  	s17 =	simm.s32 $0x11080;
	s18 =	simm.s32 $0x11880;
	[dreg:$0x1e] =	wrdreg s23  }
0x1c: {  	s20 =	simm.s32 $0x12880;
	s7 =	smul.u32 $0x300, s7;
	[dreg:$0x1f] =	wrdreg s24  }
0x1d: {  	s6 =	sadd.s32 $0x1800, s6;
	s22 =	sadd.s32 $0x1A00, s5;
	[smem:$0x7FC] =	sst s25  }
0x1e: {  	s5 =	simm.s32 $0x3080;
	[smem:$0x7FD] =	sst s26;
	s21 =	simm.s32 $0x13080  }
0x1f: {  	s23 =	simm.s32 $0x14080;
	s24 =	simm.s32 $0x14880;
	[dreg:$0x5] =	wrdreg s6  }
0x20: {  	s25 =	simm.s32 $0x15080;
	s26 =	simm.s32 $0x15880;
	[dreg:$0x7] =	wrdreg s22  }
0x21: {  	[dreg:$0xd] =	wrdreg s5;
	s6 =	simm.s32 $0x3880;
	s22 =	simm.s32 $0xB080  }
0x22: {  	s5 =	sadd.s32 $0x11C00, s1;
	s3 =	sadd.s32 s3, s7;
	[dreg:$0xe] =	wrdreg s6  }
0x23: {  	s7 =	simm.s32 $0x4080;
	s6 =	ssub.s32 s4, s19;
	[dreg:$0x1d] =	wrdreg s22  }
0x24: {  	v2 =	vlaneseq.u32;
	s4 =	sadd.s32 $0x11B00, s1;
	s19 =	simm.s32 $0x12080;
	[dreg:$0x6] =	wrdreg s3  }
0x25: {  	vm0 =	vmmov $0xffff;
	v1 =	vshrl.u32 v2, $0x3;
	s22 =	simm.s32 $0x13880;
	[dreg:$0xf] =	wrdreg s7;
	s3 =	sadd.s32 $0x11A00, s1  }
0x26: {  	v0 =	vand.u32 $0x7, v2;
	v2 =	vor.u32 $0x8, v2;
	v1 =	vmul.u32 $0x8, v1;
	s6 =	smax.u32 s6, $0x1;
	s7 =	simm.s32 $0x2;
	s1 =	simm.s32 $0x1  }
.LBB2_1:
0x27: {  	s0 =	rddreg [dreg:$0x5]  }
0x28: {  	[tilespmem:s2], [sflag:$0x2] =	stream.linear.gather [hbm4b:s0+s2], $0x80, $0x38;
	[tilespmem:$0x1C080] =	vst v63  }
0x29: {  	_ =	swait.ge [sflag:s7], $0x80  }
0x2a: {  	[sflag:s7] =	ssyncset.done $0x0  }
0x2b: {  	s10 =	rddreg [dreg:$0x6];
	[sflag:s7] =	ssyncadd.s32 $0xFFFFFF80  }
0x2c: {  	[tilespmem:s8], [sflag:$0x2] =	stream.linear.gather [hbm4b:s10+s2], $0x18000, $0x38;
	[tilespmem:$0x1C080] =	vst v63  }
0x2d: {  	_ =	swait.ge [sflag:s7], $0x18000  }
0x2e: {  	[sflag:s7] =	ssyncset.done $0x0  }
0x2f: {  	s10 =	rddreg [dreg:$0x7];
	[sflag:s7] =	ssyncadd.s32 $0xFFFE8000  }
0x30: {  	[tilespmem:s9], [sflag:$0x2] =	stream.linear.gather [hbm4b:s10+s2], $0x4000, $0x38;
	[tilespmem:$0x1C080] =	vst v63  }
0x31: {  	_ =	swait.ge [sflag:s7], $0x4000  }
0x32: {  	[sflag:s7] =	ssyncset.done $0x0  }
0x33: {  	[sflag:s7] =	ssyncadd.s32 $0xFFFFC000  }
0x34: {  	v3 =	vld [tilespmem:$0x0];
	_ =	sdelay $0x4  }
0x35: {  	v4 =	vshrl.u32 v3, $0x3  }
0x36: {  	v4 =	vmul.u32 $0x30, v4  }
0x37: {  	v3 =	vand.u32 $0x7, v3  }
0x38: {  	v3 =	vor.u32 v3, v4  }
0x39: {  	v4 =	vperm.xlane v3, v0;
	_ =	sdelay $0x1  }
0x3a: {  	v4 =	vadd.s32 v1, v4;
	_ =	sdelay $0x3  }
0x3b: {  	v3 =	vperm.xlane v3, v2  }
0x3c: {  	[hbm4b:s3+s2] =	stream.indirect_vreg.scatter [tilespmem:s8], [sflag:$0x1], $0x80, v4, vm0, $0xb8;
	[tilespmem:$0x1C080] =	vst v63  }
0x3d: {  	s0 =	rddreg [dreg:$0x8];
	v3 =	vadd.s32 v1, v3  }
0x3e: {  	[hbm4b:s4+s2] =	stream.indirect_vreg.scatter [tilespmem:s0], [sflag:$0x1], $0x80, v4, vm0, $0xb8;
	[tilespmem:$0x1C080] =	vst v63  }
0x3f: {  	s10 =	rddreg [dreg:$0x9]  }
0x40: {  	[hbm4b:s5+s2] =	stream.indirect_vreg.scatter [tilespmem:s10], [sflag:$0x1], $0x80, v4, vm0, $0xb8;
	[tilespmem:$0x1C080] =	vst v63  }
0x41: {  	s0 =	rddreg [dreg:$0xa]  }
0x42: {  	[hbm4b:s3+s2] =	stream.indirect_vreg.scatter [tilespmem:s0], [sflag:$0x1], $0x80, v3, vm0, $0xb8;
	[tilespmem:$0x1C080] =	vst v63  }
0x43: {  	s10 =	rddreg [dreg:$0xb]  }
0x44: {  	[hbm4b:s4+s2] =	stream.indirect_vreg.scatter [tilespmem:s10], [sflag:$0x1], $0x80, v3, vm0, $0xb8;
	[tilespmem:$0x1C080] =	vst v63  }
0x45: {  	s0 =	rddreg [dreg:$0xc]  }
0x46: {  	[hbm4b:s5+s2] =	stream.indirect_vreg.scatter [tilespmem:s0], [sflag:$0x1], $0x80, v3, vm0, $0xb8;
	[tilespmem:$0x1C080] =	vst v63  }
0x47: {  	v3 =	vld [tilespmem:$0x10];
	_ =	sdelay $0x4  }
0x48: {  	v57 =	vshrl.u32 v3, $0x3  }
0x49: {  	v4 =	vmul.u32 $0x30, v57  }
0x4a: {  	v3 =	vand.u32 $0x7, v3  }
0x4b: {  	v3 =	vor.u32 v3, v4  }
0x4c: {  	v4 =	vperm.xlane v3, v0;
	_ =	sdelay $0x1  }
0x4d: {  	v4 =	vadd.s32 v1, v4;
	_ =	sdelay $0x3  }
0x4e: {  	s0 =	rddreg [dreg:$0xd];
	v3 =	vperm.xlane v3, v2  }
0x4f: {  	[hbm4b:s3+s2] =	stream.indirect_vreg.scatter [tilespmem:s0], [sflag:$0x1], $0x80, v4, vm0, $0xb8;
	[tilespmem:$0x1C080] =	vst v63  }
0x50: {  	s10 =	rddreg [dreg:$0xe];
	v3 =	vadd.s32 v1, v3  }
0x51: {  	[hbm4b:s4+s2] =	stream.indirect_vreg.scatter [tilespmem:s10], [sflag:$0x1], $0x80, v4, vm0, $0xb8;
	[tilespmem:$0x1C080] =	vst v63  }
0x52: {  	s0 =	rddreg [dreg:$0xf]  }
0x53: {  	[hbm4b:s5+s2] =	stream.indirect_vreg.scatter [tilespmem:s0], [sflag:$0x1], $0x80, v4, vm0, $0xb8;
	[tilespmem:$0x1C080] =	vst v63  }
0x54: {  	s10 =	rddreg [dreg:$0x10]  }
0x55: {  	[hbm4b:s3+s2] =	stream.indirect_vreg.scatter [tilespmem:s10], [sflag:$0x1], $0x80, v3, vm0, $0xb8;
	[tilespmem:$0x1C080] =	vst v63  }
0x56: {  	s0 =	rddreg [dreg:$0x11]  }
0x57: {  	[hbm4b:s4+s2] =	stream.indirect_vreg.scatter [tilespmem:s0], [sflag:$0x1], $0x80, v3, vm0, $0xb8;
	[tilespmem:$0x1C080] =	vst v63  }
0x58: {  	s10 =	rddreg [dreg:$0x12]  }
0x59: {  	[hbm4b:s5+s2] =	stream.indirect_vreg.scatter [tilespmem:s10], [sflag:$0x1], $0x80, v3, vm0, $0xb8;
	[tilespmem:$0x1C080] =	vst v63  }
0x5a: {  	v3 =	vld [tilespmem:$0x20];
	_ =	sdelay $0x4  }
0x5b: {  	v58 =	vshrl.u32 v3, $0x3  }
0x5c: {  	v4 =	vmul.u32 $0x30, v58  }
0x5d: {  	v3 =	vand.u32 $0x7, v3  }
0x5e: {  	v3 =	vor.u32 v3, v4  }
0x5f: {  	v4 =	vperm.xlane v3, v0;
	_ =	sdelay $0x1  }
0x60: {  	v4 =	vadd.s32 v1, v4;
	_ =	sdelay $0x3  }
0x61: {  	s0 =	rddreg [dreg:$0x13];
	v3 =	vperm.xlane v3, v2  }
0x62: {  	[hbm4b:s3+s2] =	stream.indirect_vreg.scatter [tilespmem:s0], [sflag:$0x1], $0x80, v4, vm0, $0xb8;
	[tilespmem:$0x1C080] =	vst v63  }
0x63: {  	s10 =	rddreg [dreg:$0x14];
	v3 =	vadd.s32 v1, v3  }
0x64: {  	[hbm4b:s4+s2] =	stream.indirect_vreg.scatter [tilespmem:s10], [sflag:$0x1], $0x80, v4, vm0, $0xb8;
	[tilespmem:$0x1C080] =	vst v63  }
0x65: {  	s0 =	rddreg [dreg:$0x15]  }
0x66: {  	[hbm4b:s5+s2] =	stream.indirect_vreg.scatter [tilespmem:s0], [sflag:$0x1], $0x80, v4, vm0, $0xb8;
	[tilespmem:$0x1C080] =	vst v63  }
0x67: {  	s10 =	rddreg [dreg:$0x16]  }
0x68: {  	[hbm4b:s3+s2] =	stream.indirect_vreg.scatter [tilespmem:s10], [sflag:$0x1], $0x80, v3, vm0, $0xb8;
	[tilespmem:$0x1C080] =	vst v63  }
0x69: {  	s0 =	rddreg [dreg:$0x17]  }
0x6a: {  	[hbm4b:s4+s2] =	stream.indirect_vreg.scatter [tilespmem:s0], [sflag:$0x1], $0x80, v3, vm0, $0xb8;
	[tilespmem:$0x1C080] =	vst v63  }
0x6b: {  	s10 =	rddreg [dreg:$0x18]  }
0x6c: {  	[hbm4b:s5+s2] =	stream.indirect_vreg.scatter [tilespmem:s10], [sflag:$0x1], $0x80, v3, vm0, $0xb8;
	[tilespmem:$0x1C080] =	vst v63  }
0x6d: {  	v3 =	vld [tilespmem:$0x30];
	_ =	sdelay $0x4  }
0x6e: {  	v59 =	vshrl.u32 v3, $0x3  }
0x6f: {  	v4 =	vmul.u32 $0x30, v59  }
0x70: {  	v3 =	vand.u32 $0x7, v3  }
0x71: {  	v3 =	vor.u32 v3, v4  }
0x72: {  	v4 =	vperm.xlane v3, v0;
	_ =	sdelay $0x1  }
0x73: {  	v4 =	vadd.s32 v1, v4;
	_ =	sdelay $0x3  }
0x74: {  	s0 =	rddreg [dreg:$0x19];
	v3 =	vperm.xlane v3, v2  }
0x75: {  	[hbm4b:s3+s2] =	stream.indirect_vreg.scatter [tilespmem:s0], [sflag:$0x1], $0x80, v4, vm0, $0xb8;
	[tilespmem:$0x1C080] =	vst v63  }
0x76: {  	s10 =	rddreg [dreg:$0x1a];
	v3 =	vadd.s32 v1, v3  }
0x77: {  	[hbm4b:s4+s2] =	stream.indirect_vreg.scatter [tilespmem:s10], [sflag:$0x1], $0x80, v4, vm0, $0xb8;
	[tilespmem:$0x1C080] =	vst v63  }
0x78: {  	s0 =	rddreg [dreg:$0x1b]  }
0x79: {  	[hbm4b:s5+s2] =	stream.indirect_vreg.scatter [tilespmem:s0], [sflag:$0x1], $0x80, v4, vm0, $0xb8;
	[tilespmem:$0x1C080] =	vst v63  }
0x7a: {  	s10 =	rddreg [dreg:$0x1c]  }
0x7b: {  	[hbm4b:s3+s2] =	stream.indirect_vreg.scatter [tilespmem:s10], [sflag:$0x1], $0x80, v3, vm0, $0xb8;
	[tilespmem:$0x1C080] =	vst v63  }
0x7c: {  	s0 =	rddreg [dreg:$0x1d]  }
0x7d: {  	[hbm4b:s4+s2] =	stream.indirect_vreg.scatter [tilespmem:s0], [sflag:$0x1], $0x80, v3, vm0, $0xb8;
	[tilespmem:$0x1C080] =	vst v63  }
0x7e: {  	s10 =	rddreg [dreg:$0x1e]  }
0x7f: {  	[hbm4b:s5+s2] =	stream.indirect_vreg.scatter [tilespmem:s10], [sflag:$0x1], $0x80, v3, vm0, $0xb8;
	[tilespmem:$0x1C080] =	vst v63  }
0x80: {  	v3 =	vld [tilespmem:$0x40];
	_ =	sdelay $0x4  }
0x81: {  	v60 =	vshrl.u32 v3, $0x3  }
0x82: {  	v4 =	vmul.u32 $0x30, v60  }
0x83: {  	v3 =	vand.u32 $0x7, v3  }
0x84: {  	v3 =	vor.u32 v3, v4  }
0x85: {  	v4 =	vperm.xlane v3, v0;
	_ =	sdelay $0x1  }
0x86: {  	v4 =	vadd.s32 v1, v4;
	_ =	sdelay $0x2  }
0x87: {  	s0 =	rddreg [dreg:$0x1f]  }
0x88: {  	s10 =	sld [smem:$0x7FC];
	v3 =	vperm.xlane v3, v2  }
0x89: {  	[hbm4b:s3+s2] =	stream.indirect_vreg.scatter [tilespmem:s0], [sflag:$0x1], $0x80, v4, vm0, $0xb8;
	[tilespmem:$0x1C080] =	vst v63  }
0x8a: {  	v3 =	vadd.s32 v1, v3;
	s0 =	sld [smem:$0x7FD]  }
0x8b: {  	[hbm4b:s4+s2] =	stream.indirect_vreg.scatter [tilespmem:s10], [sflag:$0x1], $0x80, v4, vm0, $0xb8;
	[tilespmem:$0x1C080] =	vst v63  }
0x8c: {  	_ = 	snop  }
0x8d: {  	[hbm4b:s5+s2] =	stream.indirect_vreg.scatter [tilespmem:s0], [sflag:$0x1], $0x80, v4, vm0, $0xb8;
	[tilespmem:$0x1C080] =	vst v63  }
0x8e: {  	s10 =	simm.s32 $0xD880  }
0x8f: {  	[hbm4b:s3+s2] =	stream.indirect_vreg.scatter [tilespmem:s10], [sflag:$0x1], $0x80, v3, vm0, $0xb8;
	[tilespmem:$0x1C080] =	vst v63  }
0x90: {  	_ = 	snop  }
0x91: {  	[hbm4b:s4+s2] =	stream.indirect_vreg.scatter [tilespmem:s11], [sflag:$0x1], $0x80, v3, vm0, $0xb8;
	[tilespmem:$0x1C080] =	vst v63  }
0x92: {  	_ = 	snop  }
0x93: {  	[hbm4b:s5+s2] =	stream.indirect_vreg.scatter [tilespmem:s12], [sflag:$0x1], $0x80, v3, vm0, $0xb8;
	[tilespmem:$0x1C080] =	vst v63  }
0x94: {  	v3 =	vld [tilespmem:$0x50];
	_ =	sdelay $0x4  }
0x95: {  	v61 =	vshrl.u32 v3, $0x3  }
0x96: {  	v4 =	vmul.u32 $0x30, v61  }
0x97: {  	v3 =	vand.u32 $0x7, v3  }
0x98: {  	v3 =	vor.u32 v3, v4  }
0x99: {  	v4 =	vperm.xlane v3, v0;
	_ =	sdelay $0x1  }
0x9a: {  	v4 =	vadd.s32 v1, v4;
	_ =	sdelay $0x3  }
0x9b: {  	v3 =	vperm.xlane v3, v2  }
0x9c: {  	[hbm4b:s3+s2] =	stream.indirect_vreg.scatter [tilespmem:s13], [sflag:$0x1], $0x80, v4, vm0, $0xb8;
	[tilespmem:$0x1C080] =	vst v63  }
0x9d: {  	v3 =	vadd.s32 v1, v3  }
0x9e: {  	[hbm4b:s4+s2] =	stream.indirect_vreg.scatter [tilespmem:s14], [sflag:$0x1], $0x80, v4, vm0, $0xb8;
	[tilespmem:$0x1C080] =	vst v63  }
0x9f: {  	_ = 	snop  }
0xa0: {  	[hbm4b:s5+s2] =	stream.indirect_vreg.scatter [tilespmem:s15], [sflag:$0x1], $0x80, v4, vm0, $0xb8;
	[tilespmem:$0x1C080] =	vst v63  }
0xa1: {  	_ = 	snop  }
0xa2: {  	[hbm4b:s3+s2] =	stream.indirect_vreg.scatter [tilespmem:s16], [sflag:$0x1], $0x80, v3, vm0, $0xb8;
	[tilespmem:$0x1C080] =	vst v63  }
0xa3: {  	_ = 	snop  }
0xa4: {  	[hbm4b:s4+s2] =	stream.indirect_vreg.scatter [tilespmem:s17], [sflag:$0x1], $0x80, v3, vm0, $0xb8;
	[tilespmem:$0x1C080] =	vst v63  }
0xa5: {  	_ = 	snop  }
0xa6: {  	[hbm4b:s5+s2] =	stream.indirect_vreg.scatter [tilespmem:s18], [sflag:$0x1], $0x80, v3, vm0, $0xb8;
	[tilespmem:$0x1C080] =	vst v63  }
0xa7: {  	v3 =	vld [tilespmem:$0x60];
	_ =	sdelay $0x4  }
0xa8: {  	v62 =	vshrl.u32 v3, $0x3  }
0xa9: {  	v4 =	vmul.u32 $0x30, v62  }
0xaa: {  	v3 =	vand.u32 $0x7, v3  }
0xab: {  	v3 =	vor.u32 v3, v4  }
0xac: {  	v4 =	vperm.xlane v3, v0;
	_ =	sdelay $0x1  }
0xad: {  	v4 =	vadd.s32 v1, v4;
	_ =	sdelay $0x3  }
0xae: {  	v3 =	vperm.xlane v3, v2  }
0xaf: {  	[hbm4b:s3+s2] =	stream.indirect_vreg.scatter [tilespmem:s19], [sflag:$0x1], $0x80, v4, vm0, $0xb8;
	[tilespmem:$0x1C080] =	vst v63  }
0xb0: {  	v3 =	vadd.s32 v1, v3  }
0xb1: {  	[hbm4b:s4+s2] =	stream.indirect_vreg.scatter [tilespmem:s20], [sflag:$0x1], $0x80, v4, vm0, $0xb8;
	[tilespmem:$0x1C080] =	vst v63  }
0xb2: {  	_ = 	snop  }
0xb3: {  	[hbm4b:s5+s2] =	stream.indirect_vreg.scatter [tilespmem:s21], [sflag:$0x1], $0x80, v4, vm0, $0xb8;
	[tilespmem:$0x1C080] =	vst v63  }
0xb4: {  	_ = 	snop  }
0xb5: {  	[hbm4b:s3+s2] =	stream.indirect_vreg.scatter [tilespmem:s22], [sflag:$0x1], $0x80, v3, vm0, $0xb8;
	[tilespmem:$0x1C080] =	vst v63  }
0xb6: {  	_ = 	snop  }
0xb7: {  	[hbm4b:s4+s2] =	stream.indirect_vreg.scatter [tilespmem:s23], [sflag:$0x1], $0x80, v3, vm0, $0xb8;
	[tilespmem:$0x1C080] =	vst v63  }
0xb8: {  	_ = 	snop  }
0xb9: {  	[hbm4b:s5+s2] =	stream.indirect_vreg.scatter [tilespmem:s24], [sflag:$0x1], $0x80, v3, vm0, $0xb8;
	[tilespmem:$0x1C080] =	vst v63  }
0xba: {  	v3 =	vld [tilespmem:$0x70];
	_ =	sdelay $0x4  }
0xbb: {  	v63 =	vshrl.u32 v3, $0x3  }
0xbc: {  	v4 =	vmul.u32 $0x30, v63  }
0xbd: {  	v3 =	vand.u32 $0x7, v3  }
0xbe: {  	v3 =	vor.u32 v3, v4  }
0xbf: {  	v4 =	vperm.xlane v3, v0;
	_ =	sdelay $0x1  }
0xc0: {  	v4 =	vadd.s32 v1, v4;
	_ =	sdelay $0x3  }
0xc1: {  	v3 =	vperm.xlane v3, v2  }
0xc2: {  	[hbm4b:s3+s2] =	stream.indirect_vreg.scatter [tilespmem:s25], [sflag:$0x1], $0x80, v4, vm0, $0xb8;
	[tilespmem:$0x1C080] =	vst v63  }
0xc3: {  	v3 =	vadd.s32 v1, v3  }
0xc4: {  	[hbm4b:s4+s2] =	stream.indirect_vreg.scatter [tilespmem:s26], [sflag:$0x1], $0x80, v4, vm0, $0xb8;
	[tilespmem:$0x1C080] =	vst v63  }
0xc5: {  	_ = 	snop  }
0xc6: {  	[hbm4b:s5+s2] =	stream.indirect_vreg.scatter [tilespmem:s28], [sflag:$0x1], $0x80, v4, vm0, $0xb8;
	[tilespmem:$0x1C080] =	vst v63  }
0xc7: {  	_ = 	snop  }
0xc8: {  	[hbm4b:s3+s2] =	stream.indirect_vreg.scatter [tilespmem:s29], [sflag:$0x1], $0x80, v3, vm0, $0xb8;
	[tilespmem:$0x1C080] =	vst v63  }
0xc9: {  	_ = 	snop  }
0xca: {  	[hbm4b:s4+s2] =	stream.indirect_vreg.scatter [tilespmem:s30], [sflag:$0x1], $0x80, v3, vm0, $0xb8;
	[tilespmem:$0x1C080] =	vst v63  }
0xcb: {  	_ = 	snop  }
0xcc: {  	[hbm4b:s5+s2] =	stream.indirect_vreg.scatter [tilespmem:s31], [sflag:$0x1], $0x80, v3, vm0, $0xb8;
	[tilespmem:$0x1C080] =	vst v63  }
0xcd: {  	s10 =	rddreg [dreg:$0x4]  }
0xce: {  	[hbm4b:s10+s8] =	stream.indirect.scatter [tilespmem:s9], [sflag:$0x1], $0x80, s2, s8, $0xb8;
	[tilespmem:$0x1C080] =	vst v63  }
0xcf: {  	p0 =	sne.s32 s6, $0x1;
	_ =	swait.ge [sflag:s1], $0x18000  }
.Ltmp0:
0xd0: {  	[sflag:s1] =	ssyncset.done $0x0;
	(pc) =	sbr.rel @p0 .LBB2_1-.Ltmp0, $4  }
0xd1: {  	[sflag:s1] =	ssyncadd.s32 $0xFFFE8000  }
0xd2: {  	_ =	swait.ge [sflag:s1], $0x4000  }
0xd3: {  	[sflag:s1] =	ssyncset.done $0x0  }
0xd4: {  	s6 =	sadd.s32 $0xFFFFFFFF, s6;
	[sflag:s1] =	ssyncadd.s32 $0xFFFFC000  }
0xd5: {  	_ =	sfence.sel $0x180000  }
0xd6: {  	[bflag:$0x0] =	sbarrier.arrive $0xFFFF  }
0xd7: {  	_ =	strace $0x90000047  }
0xd8: {  	s0 =	stileid.u32;
	[bflag:$0x2] =	sbarrier.arrive $0xFFFF  }
0xd9: {  	p0 =	sne.s32 s0, $0x0;
	s0 =	rddreg [dreg:$0x3]  }
0xda: {  	s0 =	sadd.s32 @!p0 $0x100000, s0  }
0xdb: {  	[sflag:s0] =	ssyncadd.tile.s32 @!p0 $0x1;
	_ =	shalt  }
.Lfunc_end2:
_tile_overlayer_lowered:
.L_overlay_start_2:
0xdc: {  	(tag) =	ssettag $0x2  }
0xdd: {  	s0 =	rddreg [dreg:$0x0];
	s2 =	stileid.u32  }
0xde: {  	s1 =	rddreg [dreg:$0x1];
	p0 =	sne.s32 s2, $0x0  }
0xdf: {  	s3 =	rddreg [dreg:$0x2];
	[bflag:$0x3] =	sbarrier.arrive $0xFFFF;
	s2 =	simm.s32 @!p0 $0x1C02  }
0xe0: {  	[timem:s3], [sflag:s2] =	dma.local @!p0 [hbm:s0], s1  }
0xe1: {  	s0 =	simm.s32 @!p0 $0x2  }
0xe2: {  	_ =	swait.ge @!p0 [sflag:s0], s1  }
0xe3: {  	s1 =	ssub.s32 @!p0 $0x0, s1;
	[sflag:s0] =	ssyncset.done @!p0 $0x0  }
0xe4: {  	[sflag:s0] =	ssyncadd.s32 @!p0 s1  }
0xe5: {  	[bflag:$0x3] =	sbarrier.arrive $0xFFFF  }
0xe6: {  	_ =	shalt  }

// kernel: kernel.9.cloned.1.call-start
scs
__scs_entry_jumppad:
0x0: {  	(pc) =	sbr.rel $0x88, $3  }
0x1: {  	(tag) =	ssettag $0x0;
	lr =	simm.s32 $0x1  }
0x2: {  	[smem:$0x3F9C] =	sst lr;
	_ =	strace $0xD0000000  }
0x3: {  	_ = 	snop  }
0x4: {  	_ = 	snop  }
0x5: {  	_ = 	snop  }
0x6: {  	_ = 	snop  }
0x7: {  	_ = 	snop  }
__scs_overlays_trampoline_lowered:
0x8: {  	[smem:$0x3FAB] =	sst s0  }
0x9: {  	[smem:$0x3FAC] =	sst s1  }
0xa: {  	[smem:$0x3FAD] =	sst s2  }
0xb: {  	[smem:$0x3FAE] =	sst s3  }
0xc: {  	[smem:$0x3FAF] =	sst s4  }
0xd: {  	[smem:$0x3FB0] =	sst s5  }
0xe: {  	[smem:$0x3FB1] =	sst s6  }
0xf: {  	[smem:$0x3FB2] =	sst s7  }
0x10: {  	[smem:$0x3FB3] =	sst s8  }
0x11: {  	[smem:$0x3FB4] =	sst s9;
	s0 =	simm.s32 @!p0 $0x0  }
0x12: {  	s1 =	sld [smem:$0x3F9A];
	s0 =	simm.s32 @p0 $0x1  }
0x13: {  	[smem:$0x3FB5] =	sst s0;
	s0 =	simm.s32 @!p1 $0x0  }
0x14: {  	s2 =	sld [smem:$0x3F99];
	s0 =	simm.s32 @p1 $0x1  }
0x15: {  	[smem:$0x3FB6] =	sst s0;
	s0 =	simm.s32 @!p2 $0x0  }
0x16: {  	s3 =	sld [smem:$0x3FDB];
	s0 =	simm.s32 @p2 $0x1  }
0x17: {  	s4 =	simm.s32 $0x1BF5;
	[smem:$0x3FB8] =	sst s0  }
0x18: {  	s0 =	sld [smem:$0x3F9B];
	_ =	swait.ge [sflag:s4], $0x0  }
0x19: {  	s7 =	sld [smem:$0x3F9C]  }
0x1a: {  	s8 =	sadd.s32 $0xFFFFE003, lr  }
0x1b: {  	s9 =	sadd.s32 $0xFFFFFEF7, lr;
	s5 =	simm.s32 $0xFFFFFFFF;
	p2 =	slt.u32 s8, $0xFFFFF086  }
0x1c: {  	p1 =	slt.u32 s9, $0xF7A;
	s5 =	simm.s32 @!p2 $0x0  }
0x1d: {  	s5 =	simm.s32 @p1 $0x1;
	p0 =	seq.s32 s7, s2  }
0x1e: {  	s7 =	smul.u32 @!p0 $0xF7A, s2;
	p2 =	seq.s32 @!p0 s5, $0x0  }
0x1f: {  	s9 =	smul.u32 $0xF7A, s1;
	s8 =	simm.s32 @!p0 $0x1BF5;
	p2 =	por !p2, p0  }
0x20: {  	[sflag:s8] =	ssyncset.s32 @!p0 $0xFFFFF086;
	s6 =	sadd.s32 @!p0 s3, s7;
	s7 =	simm.s32 @!p0 $0x108  }
0x21: {  	s3 =	sadd.s32 s3, s9;
	s6 =	sadd.s32 @!p0 $0x88, s6;
	s7 =	simm.s32 @p2 $0x1082  }
0x22: {  	[simem:s7], [sflag:s8] =	dma.local @!p0 [hbm:s6], $0xF7A  }
0x23: {  	s9 =	sor.u32 $0xD0000000, s2;
	s6 =	simm.s32 $0x108;
	_ =	swait.ge @!p0 [sflag:s8], $0x0  }
0x24: {  	s3 =	sadd.s32 $0x88, s3;
	s6 =	simm.s32 @!p1 $0x1082;
	[sflag:s4] =	ssyncset.s32 $0xFFFFF086  }
0x25: {  	[simem:s6], [sflag:s4] =	dma.local [hbm:s3], $0xF7A  }
0x26: {  	[smem:$0x3F9C] =	sst s1;
	(tag) =	ssettag s2;
	_ =	strace s9  }
0x27: {  	s1 =	sld [smem:$0x3FAC]  }
0x28: {  	s2 =	sld [smem:$0x3FAD]  }
0x29: {  	s4 =	sld [smem:$0x3FAF]  }
0x2a: {  	p0 =	seq.s32 s5, $0x0;
	s5 =	sld [smem:$0x3FB0]  }
0x2b: {  	s6 =	sld [smem:$0x3FB1]  }
0x2c: {  	s7 =	sld [smem:$0x3FB2]  }
0x2d: {  	s3 =	simm.s32 $0x108;
	s8 =	sld [smem:$0x3FB3]  }
0x2e: {  	s3 =	simm.s32 @!p0 $0x1082;
	s9 =	sld [smem:$0x3FB4]  }
0x2f: {  	lr =	sadd.s32 s0, s3;
	s0 =	sld [smem:$0x3FAB]  }
0x30: {  	s3 =	sld [smem:$0x3FAE]  }
0x31: {  	[smem:$0x3FB7] =	sst s10  }
0x32: {  	s10 =	sld [smem:$0x3FB5];
	_ =	sdelay $0x3  }
0x33: {  	p0 =	seq.s32 s10, $0x1;
	s10 =	sld [smem:$0x3FB7];
	_ =	sdelay $0x3  }
0x34: {  	[smem:$0x3FB7] =	sst s10  }
0x35: {  	s10 =	sld [smem:$0x3FB6];
	_ =	sdelay $0x3  }
0x36: {  	p1 =	seq.s32 s10, $0x1;
	s10 =	sld [smem:$0x3FB7];
	_ =	sdelay $0x3  }
0x37: {  	[smem:$0x3FB7] =	sst s10  }
0x38: {  	s10 =	sld [smem:$0x3FB8]  }
0x39: {  	_ = 	snop;
	(pc) =	sbr.ind lr, $3  }
0x3a: {  	_ = 	snop  }
0x3b: {  	_ = 	snop  }
0x3c: {  	p2 =	seq.s32 s10, $0x1;
	s10 =	sld [smem:$0x3FB7]  }
0x3d: {  	_ =	shalt  }
0x3e: {  	_ =	shalt  }
0x3f: {  	_ =	shalt  }
0x40: {  	_ =	shalt  }
0x41: {  	_ =	shalt  }
0x42: {  	_ =	shalt  }
0x43: {  	_ =	shalt  }
0x44: {  	_ =	shalt  }
0x45: {  	_ =	shalt  }
0x46: {  	_ =	shalt  }
0x47: {  	_ =	shalt  }
0x48: {  	_ =	shalt  }
0x49: {  	_ =	shalt  }
0x4a: {  	_ =	shalt  }
0x4b: {  	_ =	shalt  }
0x4c: {  	_ =	shalt  }
0x4d: {  	_ =	shalt  }
0x4e: {  	_ =	shalt  }
0x4f: {  	_ =	shalt  }
0x50: {  	_ =	shalt  }
0x51: {  	_ =	shalt  }
0x52: {  	_ =	shalt  }
0x53: {  	_ =	shalt  }
0x54: {  	_ =	shalt  }
0x55: {  	_ =	shalt  }
0x56: {  	_ =	shalt  }
0x57: {  	_ =	shalt  }
0x58: {  	_ =	shalt  }
0x59: {  	_ =	shalt  }
0x5a: {  	_ =	shalt  }
0x5b: {  	_ =	shalt  }
0x5c: {  	_ =	shalt  }
0x5d: {  	_ =	shalt  }
0x5e: {  	_ =	shalt  }
0x5f: {  	_ =	shalt  }
0x60: {  	_ =	shalt  }
0x61: {  	_ =	shalt  }
0x62: {  	_ =	shalt  }
0x63: {  	_ =	shalt  }
0x64: {  	_ =	shalt  }
0x65: {  	_ =	shalt  }
0x66: {  	_ =	shalt  }
0x67: {  	_ =	shalt  }
0x68: {  	_ =	shalt  }
0x69: {  	_ =	shalt  }
0x6a: {  	_ =	shalt  }
0x6b: {  	_ =	shalt  }
0x6c: {  	_ =	shalt  }
0x6d: {  	_ =	shalt  }
0x6e: {  	_ =	shalt  }
0x6f: {  	_ =	shalt  }
0x70: {  	_ =	shalt  }
0x71: {  	_ =	shalt  }
0x72: {  	_ =	shalt  }
0x73: {  	_ =	shalt  }
0x74: {  	_ =	shalt  }
0x75: {  	_ =	shalt  }
0x76: {  	_ =	shalt  }
0x77: {  	_ =	shalt  }
0x78: {  	_ =	shalt  }
0x79: {  	_ =	shalt  }
0x7a: {  	_ =	shalt  }
0x7b: {  	_ =	shalt  }
0x7c: {  	_ =	shalt  }
0x7d: {  	_ =	shalt  }
0x7e: {  	_ =	shalt  }
0x7f: {  	_ =	shalt  }
0x80: {  	_ =	shalt  }
0x81: {  	_ =	shalt  }
0x82: {  	_ =	shalt  }
0x83: {  	_ =	shalt  }
0x84: {  	_ =	shalt  }
0x85: {  	_ =	shalt  }
0x86: {  	_ =	shalt  }
0x87: {  	_ =	shalt  }
.Lfunc_end0:
.L_simem_size_0:
called_computation.1_lowered:
.L_overlay_start_0:
0x88: {  	s2 =	sld [smem:$0x3FD9]  }
0x89: {  	s3 =	sld [smem:$0x3FFE];
	_ =	sdelay $0x1  }
0x8a: {  	s1 =	srdreg.scid  }
0x8b: {  	s0 =	sand.u32 $0x1, s1  }
0x8c: {  	s17 =	sshll.u32 s0, $0xA;
	s2 =	sadd.s32 s3, s2  }
0x8d: {  	s2 =	sadd.s32 s2, s17  }
0x8e: {  	[smem:$0x3FC3] =	sst s2  }
0x8f: {  	_ = 	snop  }
0x90: {  	s2 =	sld [smem:$0x3FD0];
	(tm) =	ssettm $0x1  }
0x91: {  	s18 =	sld [smem:$0x3FFB];
	_ =	sdelay $0x3  }
0x92: {  	_ =	strace s18  }
0x93: {  	s3 =	sld [smem:$0x3FFC];
	_ =	sdelay $0x3  }
0x94: {  	_ =	strace s3  }
0x95: {  	s3 =	sld [smem:$0x3FFD];
	_ =	sdelay $0x3  }
0x96: {  	_ =	strace s3  }
0x97: {  	_ =	strace $0x8FFFFFFF  }
0x98: {  	s19 =	sld [smem:$0x3FDB];
	_ =	sdelay $0x1  }
0x99: {  	s4 =	simm.s32 $_scs_section_size  }
0x9a: {  	s5 =	simm.s32 $_size__tile_overlayer_lowered;
	s6 =	simm.s32 $_tile_overlayer_lowered  }
0x9b: {  	s22 =	simm.s32 $0x1BFF;
	s21 =	sshll.u32 s6, $0x1;
	s3 =	sadd.s32 s4, s19  }
0x9c: {  	s7 =	simm.s32 $0x0;
	s20 =	sshll.u32 s5, $0x1;
	s5 =	sadd.s32 s21, s3  }
0x9d: {  	[timem:s7], [sflag:s22] =	dma.local [hbm:s5], s20  }
0x9e: {  	_ =	swait.ge [sflag:s22], s20  }
0x9f: {  	s4 =	ssub.s32 $0x0, s20;
	[sflag:s22] =	ssyncset.done $0x0  }
0xa0: {  	[sflag:s22] =	ssyncadd.s32 s4;
	_ =	sdelay $0x1  }
0xa1: {  	s23 =	simm.s32 $0x1B8B  }
0xa2: {  	_ =	swait.ge [sflag:s23], $0x1  }
0xa3: {  	[sflag:s23] =	ssyncset.done $0x0  }
0xa4: {  	s25 =	simm.s32 $0x1B8E;
	s24 =	sld [smem:$0x3FFE];
	[sflag:s23] =	ssyncadd.s32 $0xFFFFFFFF  }
0xa5: {  	s26 =	simm.s32 $execute0_lowered;
	[smem:$0x3FD2] =	sst s25  }
0xa6: {  	s5 =	sshll.u32 s26, $0x1;
	_ =	strace $0x80000049;
	[dreg:$0x1] =	wrdreg $0xFFFFFFFF  }
0xa7: {  	s28 =	simm.s32 $_size_execute0_lowered;
	s3 =	sadd.s32 s3, s5;
	[dreg:$0x0] =	wrdreg $0x0  }
0xa8: {  	s5 =	sshll.u32 s28, $0x1;
	[dreg:$0x2] =	wrdreg s3  }
0xa9: {  	[dreg:$0x3] =	wrdreg s5  }
0xaa: {  	[dreg:$0x4] =	wrdreg $0xC0  }
0xab: {  	_ =	task [dreg:s7], $0x5FFFF  }
0xac: {  	[dreg:$0x1] =	wrdreg $0xFFFFFFFF  }
0xad: {  	[dreg:$0x0] =	wrdreg $0x60  }
0xae: {  	[dreg:$0x2] =	wrdreg s24  }
0xaf: {  	[dreg:$0x3] =	wrdreg s2  }
0xb0: {  	[dreg:$0x4] =	wrdreg $0x9  }
0xb1: {  	_ =	task.clear_ibuf [dreg:s7], $0x5FFFF;
	_ =	strace $0x90000049  }
0xb2: {  	s29 =	simm.s32 $0x9;
	_ =	strace $0x8000004B  }
0xb3: {  	_ =	swait.ge [sflag:s29], $0x1  }
0xb4: {  	[sflag:s29] =	ssyncadd.s32 $0xFFFFFFFF  }
0xb5: {  	_ =	strace $0x9000004B  }
0xb6: {  	_ =	sfence  }
0xb7: {  	s30 =	sld [smem:$0x0];
	_ =	sdelay $0x2  }
0xb8: {  	s31 =	sshll.u32 s1, $0xD;
	s1 =	sshrl.u32 s1, $0x2  }
0xb9: {  	s3 =	sand.u32 $0x4000, s31;
	s1 =	sadd.s32 s1, s30  }
0xba: {  	s0 =	sor.u32 s3, s0;
	s1 =	sshll.u32 s1, $0x11  }
0xbb: {  	s0 =	sor.u32 s1, s0  }
0xbc: {  	s0 =	sadd.s32 $0x8F2B, s0  }
0xbd: {  	[sflag:s0] =	ssyncadd.remote.s32 $0x1  }
0xbe: {  	_ =	sfence.sel $0xFFFF  }
0xbf: {  	[dreg:$0x0] =	wrdreg $0xFFFFFFFF;
	(pc) =	sbr.abs _section_cstart, $3  }
0xc0: {  	[dreg:$0x1] =	wrdreg $0xFFFFFFFF  }
0xc1: {  	_ =	task.clear_ibuf [dreg:s7], $0x2FFFF;
	_ =	strace $0x9FFFFFFF  }
0xc2: {  	(tm) =	ssettm $0x7FFFFFFF  }
0xc3: {  	_ =	shalt  }
tec
execute0_lowered:
.L_overlay_start_1:
0x0: {  	(tag) =	ssettag $0x1  }
0x1: {  	s0 =	rddreg [dreg:$0x0]  }
0x2: {  	s1 =	rddreg [dreg:$0x1]  }
0x3: {  	s3 =	srdreg.scid;
	s2 =	simm.s32 $0x0;
	s4 =	stileid.u32  }
0x4: {  	s10 =	simm.s32 $0x2;
	s12 =	simm.s32 $0x100;
	s25 =	simm.s32 $0x11100  }
0x5: {  	s28 =	simm.s32 $0x12100;
	s29 =	simm.s32 $0x12900;
	s30 =	simm.s32 $0x13100  }
0x6: {  	s31 =	simm.s32 $0x13900;
	s11 =	simm.s32 $0x15100;
	s13 =	simm.s32 $0x15900  }
0x7: {  	s14 =	simm.s32 $0x16100;
	s15 =	simm.s32 $0x16900;
	s16 =	simm.s32 $0x17100  }
0x8: {  	s17 =	simm.s32 $0x17900;
	s18 =	simm.s32 $0x1;
	s19 =	simm.s32 $0x0  }
0x9: {  	s3 =	sand.u32 $0x1, s3;
	[smem:$0x7FF] =	sst s2;
	s4 =	sshll.u32 s4, $0x4  }
0xa: {  	s5 =	sshll.u32 s3, $0x3;
	_ =	strace $0x8000004A;
	s26 =	ssub.s32 $0x2, s3  }
0xb: {  	s3 =	sadd.s32 $0x1A00, s0;
	s5 =	sor.u32 s5, s4;
	s7 =	sshrl.u32 s26, $0x1  }
0xc: {  	s6 =	sadd.s32 s5, s0;
	s9 =	ssub.s32 s26, s7;
	s8 =	smul.u32 $0x300, s5  }
0xd: {  	v2 =	vlaneseq.u32;
	s7 =	sadd.s32 $0x1C00, s0;
	s26 =	simm.s32 $0x11900;
	s4 =	sadd.s32 $0x1800, s6  }
0xe: {  	vm0 =	vmmov $0xffff;
	v1 =	vshrl.u32 v2, $0x3;
	s5 =	sadd.s32 $0x1900, s6;
	s6 =	sadd.s32 $0x1B00, s0;
	s9 =	smax.u32 s9, $0x1  }
0xf: {  	v0 =	vand.u32 $0x7, v2;
	v2 =	vor.u32 $0x8, v2;
	v1 =	vmul.u32 $0x8, v1;
	s0 =	simm.s32 $0x14100;
	s8 =	sadd.s32 s1, s8;
	s1 =	simm.s32 $0x14900  }
.LBB2_1:
0x10: {  	[tilespmem:s2], [sflag:$0x2] =	stream.linear.gather [hbm4b:s4+s2], $0x40, $0x38;
	[tilespmem:$0x18100] =	vst v63  }
0x11: {  	_ =	swait.ge [sflag:s10], $0x40  }
0x12: {  	[sflag:s10] =	ssyncset.done $0x0  }
0x13: {  	s20 =	simm.s32 $0x80;
	[sflag:s10] =	ssyncadd.s32 $0xFFFFFFC0  }
0x14: {  	[tilespmem:s20], [sflag:$0x2] =	stream.linear.gather [hbm4b:s5+s2], $0x40, $0x38;
	[tilespmem:$0x18100] =	vst v63  }
0x15: {  	_ =	swait.ge [sflag:s10], $0x40  }
0x16: {  	[sflag:s10] =	ssyncset.done $0x0  }
0x17: {  	[sflag:s10] =	ssyncadd.s32 $0xFFFFFFC0  }
0x18: {  	v3 =	vld [tilespmem:$0x0];
	_ =	sdelay $0x4  }
0x19: {  	v4 =	vshrl.u32 v3, $0x3  }
0x1a: {  	v4 =	vmul.u32 $0x30, v4  }
0x1b: {  	v3 =	vand.u32 $0x7, v3  }
0x1c: {  	v3 =	vor.u32 v3, v4  }
0x1d: {  	v4 =	vperm.xlane v3, v0;
	_ =	sdelay $0x1  }
0x1e: {  	v4 =	vadd.s32 v1, v4;
	_ =	sdelay $0x3  }
0x1f: {  	v3 =	vperm.xlane v3, v2  }
0x20: {  	[tilespmem:s12], [sflag:$0x1] =	stream.indirect_vreg.gather [hbm4b:s3+s2], $0x80, v4, vm0, $0xb8;
	[tilespmem:$0x18100] =	vst v63  }
0x21: {  	s23 =	simm.s32 $0x900;
	v3 =	vadd.s32 v1, v3  }
0x22: {  	[tilespmem:s23], [sflag:$0x1] =	stream.indirect_vreg.gather [hbm4b:s6+s2], $0x80, v4, vm0, $0xb8;
	[tilespmem:$0x18100] =	vst v63  }
0x23: {  	s24 =	simm.s32 $0x1100  }
0x24: {  	[tilespmem:s24], [sflag:$0x1] =	stream.indirect_vreg.gather [hbm4b:s7+s2], $0x80, v4, vm0, $0xb8;
	[tilespmem:$0x18100] =	vst v63  }
0x25: {  	s21 =	simm.s32 $0x1900  }
0x26: {  	[tilespmem:s21], [sflag:$0x1] =	stream.indirect_vreg.gather [hbm4b:s3+s2], $0x80, v3, vm0, $0xb8;
	[tilespmem:$0x18100] =	vst v63  }
0x27: {  	s22 =	simm.s32 $0x2100  }
0x28: {  	[tilespmem:s22], [sflag:$0x1] =	stream.indirect_vreg.gather [hbm4b:s6+s2], $0x80, v3, vm0, $0xb8;
	[tilespmem:$0x18100] =	vst v63  }
0x29: {  	s23 =	simm.s32 $0x2900  }
0x2a: {  	[tilespmem:s23], [sflag:$0x1] =	stream.indirect_vreg.gather [hbm4b:s7+s2], $0x80, v3, vm0, $0xb8;
	[tilespmem:$0x18100] =	vst v63  }
0x2b: {  	v3 =	vld [tilespmem:$0x10];
	_ =	sdelay $0x4  }
0x2c: {  	v4 =	vshrl.u32 v3, $0x3  }
0x2d: {  	v4 =	vmul.u32 $0x30, v4  }
0x2e: {  	v3 =	vand.u32 $0x7, v3  }
0x2f: {  	v3 =	vor.u32 v3, v4  }
0x30: {  	v4 =	vperm.xlane v3, v0;
	_ =	sdelay $0x1  }
0x31: {  	v4 =	vadd.s32 v1, v4;
	_ =	sdelay $0x3  }
0x32: {  	s24 =	simm.s32 $0x3100;
	v3 =	vperm.xlane v3, v2  }
0x33: {  	[tilespmem:s24], [sflag:$0x1] =	stream.indirect_vreg.gather [hbm4b:s3+s2], $0x80, v4, vm0, $0xb8;
	[tilespmem:$0x18100] =	vst v63  }
0x34: {  	s21 =	simm.s32 $0x3900;
	v3 =	vadd.s32 v1, v3  }
0x35: {  	[tilespmem:s21], [sflag:$0x1] =	stream.indirect_vreg.gather [hbm4b:s6+s2], $0x80, v4, vm0, $0xb8;
	[tilespmem:$0x18100] =	vst v63  }
0x36: {  	s22 =	simm.s32 $0x4100  }
0x37: {  	[tilespmem:s22], [sflag:$0x1] =	stream.indirect_vreg.gather [hbm4b:s7+s2], $0x80, v4, vm0, $0xb8;
	[tilespmem:$0x18100] =	vst v63  }
0x38: {  	s23 =	simm.s32 $0x4900  }
0x39: {  	[tilespmem:s23], [sflag:$0x1] =	stream.indirect_vreg.gather [hbm4b:s3+s2], $0x80, v3, vm0, $0xb8;
	[tilespmem:$0x18100] =	vst v63  }
0x3a: {  	s24 =	simm.s32 $0x5100  }
0x3b: {  	[tilespmem:s24], [sflag:$0x1] =	stream.indirect_vreg.gather [hbm4b:s6+s2], $0x80, v3, vm0, $0xb8;
	[tilespmem:$0x18100] =	vst v63  }
0x3c: {  	s21 =	simm.s32 $0x5900  }
0x3d: {  	[tilespmem:s21], [sflag:$0x1] =	stream.indirect_vreg.gather [hbm4b:s7+s2], $0x80, v3, vm0, $0xb8;
	[tilespmem:$0x18100] =	vst v63  }
0x3e: {  	v3 =	vld [tilespmem:$0x20];
	_ =	sdelay $0x4  }
0x3f: {  	v4 =	vshrl.u32 v3, $0x3  }
0x40: {  	v4 =	vmul.u32 $0x30, v4  }
0x41: {  	v3 =	vand.u32 $0x7, v3  }
0x42: {  	v3 =	vor.u32 v3, v4  }
0x43: {  	v4 =	vperm.xlane v3, v0;
	_ =	sdelay $0x1  }
0x44: {  	v4 =	vadd.s32 v1, v4;
	_ =	sdelay $0x3  }
0x45: {  	s22 =	simm.s32 $0x6100;
	v3 =	vperm.xlane v3, v2  }
0x46: {  	[tilespmem:s22], [sflag:$0x1] =	stream.indirect_vreg.gather [hbm4b:s3+s2], $0x80, v4, vm0, $0xb8;
	[tilespmem:$0x18100] =	vst v63  }
0x47: {  	s23 =	simm.s32 $0x6900;
	v3 =	vadd.s32 v1, v3  }
0x48: {  	[tilespmem:s23], [sflag:$0x1] =	stream.indirect_vreg.gather [hbm4b:s6+s2], $0x80, v4, vm0, $0xb8;
	[tilespmem:$0x18100] =	vst v63  }
0x49: {  	s24 =	simm.s32 $0x7100  }
0x4a: {  	[tilespmem:s24], [sflag:$0x1] =	stream.indirect_vreg.gather [hbm4b:s7+s2], $0x80, v4, vm0, $0xb8;
	[tilespmem:$0x18100] =	vst v63  }
0x4b: {  	s21 =	simm.s32 $0x7900  }
0x4c: {  	[tilespmem:s21], [sflag:$0x1] =	stream.indirect_vreg.gather [hbm4b:s3+s2], $0x80, v3, vm0, $0xb8;
	[tilespmem:$0x18100] =	vst v63  }
0x4d: {  	s22 =	simm.s32 $0x8100  }
0x4e: {  	[tilespmem:s22], [sflag:$0x1] =	stream.indirect_vreg.gather [hbm4b:s6+s2], $0x80, v3, vm0, $0xb8;
	[tilespmem:$0x18100] =	vst v63  }
0x4f: {  	s23 =	simm.s32 $0x8900  }
0x50: {  	[tilespmem:s23], [sflag:$0x1] =	stream.indirect_vreg.gather [hbm4b:s7+s2], $0x80, v3, vm0, $0xb8;
	[tilespmem:$0x18100] =	vst v63  }
0x51: {  	v3 =	vld [tilespmem:$0x30];
	_ =	sdelay $0x4  }
0x52: {  	v4 =	vshrl.u32 v3, $0x3  }
0x53: {  	v4 =	vmul.u32 $0x30, v4  }
0x54: {  	v3 =	vand.u32 $0x7, v3  }
0x55: {  	v3 =	vor.u32 v3, v4  }
0x56: {  	v4 =	vperm.xlane v3, v0;
	_ =	sdelay $0x1  }
0x57: {  	v4 =	vadd.s32 v1, v4;
	_ =	sdelay $0x3  }
0x58: {  	s24 =	simm.s32 $0x9100;
	v3 =	vperm.xlane v3, v2  }
0x59: {  	[tilespmem:s24], [sflag:$0x1] =	stream.indirect_vreg.gather [hbm4b:s3+s2], $0x80, v4, vm0, $0xb8;
	[tilespmem:$0x18100] =	vst v63  }
0x5a: {  	s21 =	simm.s32 $0x9900;
	v3 =	vadd.s32 v1, v3  }
0x5b: {  	[tilespmem:s21], [sflag:$0x1] =	stream.indirect_vreg.gather [hbm4b:s6+s2], $0x80, v4, vm0, $0xb8;
	[tilespmem:$0x18100] =	vst v63  }
0x5c: {  	s22 =	simm.s32 $0xA100  }
0x5d: {  	[tilespmem:s22], [sflag:$0x1] =	stream.indirect_vreg.gather [hbm4b:s7+s2], $0x80, v4, vm0, $0xb8;
	[tilespmem:$0x18100] =	vst v63  }
0x5e: {  	s23 =	simm.s32 $0xA900  }
0x5f: {  	[tilespmem:s23], [sflag:$0x1] =	stream.indirect_vreg.gather [hbm4b:s3+s2], $0x80, v3, vm0, $0xb8;
	[tilespmem:$0x18100] =	vst v63  }
0x60: {  	s24 =	simm.s32 $0xB100  }
0x61: {  	[tilespmem:s24], [sflag:$0x1] =	stream.indirect_vreg.gather [hbm4b:s6+s2], $0x80, v3, vm0, $0xb8;
	[tilespmem:$0x18100] =	vst v63  }
0x62: {  	s21 =	simm.s32 $0xB900  }
0x63: {  	[tilespmem:s21], [sflag:$0x1] =	stream.indirect_vreg.gather [hbm4b:s7+s2], $0x80, v3, vm0, $0xb8;
	[tilespmem:$0x18100] =	vst v63  }
0x64: {  	v3 =	vld [tilespmem:$0x80];
	_ =	sdelay $0x4  }
0x65: {  	v4 =	vshrl.u32 v3, $0x3  }
0x66: {  	v4 =	vmul.u32 $0x30, v4  }
0x67: {  	v3 =	vand.u32 $0x7, v3  }
0x68: {  	v3 =	vor.u32 v3, v4  }
0x69: {  	v4 =	vperm.xlane v3, v0;
	_ =	sdelay $0x1  }
0x6a: {  	v4 =	vadd.s32 v1, v4;
	_ =	sdelay $0x3  }
0x6b: {  	s22 =	simm.s32 $0xC100;
	v3 =	vperm.xlane v3, v2  }
0x6c: {  	[tilespmem:s22], [sflag:$0x1] =	stream.indirect_vreg.gather [hbm4b:s3+s2], $0x80, v4, vm0, $0xb8;
	[tilespmem:$0x18100] =	vst v63  }
0x6d: {  	s23 =	simm.s32 $0xC900;
	v3 =	vadd.s32 v1, v3  }
0x6e: {  	[tilespmem:s23], [sflag:$0x1] =	stream.indirect_vreg.gather [hbm4b:s6+s2], $0x80, v4, vm0, $0xb8;
	[tilespmem:$0x18100] =	vst v63  }
0x6f: {  	s24 =	simm.s32 $0xD100  }
0x70: {  	[tilespmem:s24], [sflag:$0x1] =	stream.indirect_vreg.gather [hbm4b:s7+s2], $0x80, v4, vm0, $0xb8;
	[tilespmem:$0x18100] =	vst v63  }
0x71: {  	s21 =	simm.s32 $0xD900  }
0x72: {  	[tilespmem:s21], [sflag:$0x1] =	stream.indirect_vreg.gather [hbm4b:s3+s2], $0x80, v3, vm0, $0xb8;
	[tilespmem:$0x18100] =	vst v63  }
0x73: {  	s22 =	simm.s32 $0xE100  }
0x74: {  	[tilespmem:s22], [sflag:$0x1] =	stream.indirect_vreg.gather [hbm4b:s6+s2], $0x80, v3, vm0, $0xb8;
	[tilespmem:$0x18100] =	vst v63  }
0x75: {  	s23 =	simm.s32 $0xE900  }
0x76: {  	[tilespmem:s23], [sflag:$0x1] =	stream.indirect_vreg.gather [hbm4b:s7+s2], $0x80, v3, vm0, $0xb8;
	[tilespmem:$0x18100] =	vst v63  }
0x77: {  	v3 =	vld [tilespmem:$0x90];
	_ =	sdelay $0x4  }
0x78: {  	v4 =	vshrl.u32 v3, $0x3  }
0x79: {  	v4 =	vmul.u32 $0x30, v4  }
0x7a: {  	v3 =	vand.u32 $0x7, v3  }
0x7b: {  	v3 =	vor.u32 v3, v4  }
0x7c: {  	v4 =	vperm.xlane v3, v0;
	_ =	sdelay $0x1  }
0x7d: {  	v4 =	vadd.s32 v1, v4;
	_ =	sdelay $0x3  }
0x7e: {  	s24 =	simm.s32 $0xF100;
	v3 =	vperm.xlane v3, v2  }
0x7f: {  	[tilespmem:s24], [sflag:$0x1] =	stream.indirect_vreg.gather [hbm4b:s3+s2], $0x80, v4, vm0, $0xb8;
	[tilespmem:$0x18100] =	vst v63  }
0x80: {  	s21 =	simm.s32 $0xF900;
	v3 =	vadd.s32 v1, v3  }
0x81: {  	[tilespmem:s21], [sflag:$0x1] =	stream.indirect_vreg.gather [hbm4b:s6+s2], $0x80, v4, vm0, $0xb8;
	[tilespmem:$0x18100] =	vst v63  }
0x82: {  	s22 =	simm.s32 $0x10100  }
0x83: {  	[tilespmem:s22], [sflag:$0x1] =	stream.indirect_vreg.gather [hbm4b:s7+s2], $0x80, v4, vm0, $0xb8;
	[tilespmem:$0x18100] =	vst v63  }
0x84: {  	s23 =	simm.s32 $0x10900  }
0x85: {  	[tilespmem:s23], [sflag:$0x1] =	stream.indirect_vreg.gather [hbm4b:s3+s2], $0x80, v3, vm0, $0xb8;
	[tilespmem:$0x18100] =	vst v63  }
0x86: {  	_ = 	snop  }
0x87: {  	[tilespmem:s25], [sflag:$0x1] =	stream.indirect_vreg.gather [hbm4b:s6+s2], $0x80, v3, vm0, $0xb8;
	[tilespmem:$0x18100] =	vst v63  }
0x88: {  	_ = 	snop  }
0x89: {  	[tilespmem:s26], [sflag:$0x1] =	stream.indirect_vreg.gather [hbm4b:s7+s2], $0x80, v3, vm0, $0xb8;
	[tilespmem:$0x18100] =	vst v63  }
0x8a: {  	v3 =	vld [tilespmem:$0xA0];
	_ =	sdelay $0x4  }
0x8b: {  	v4 =	vshrl.u32 v3, $0x3  }
0x8c: {  	v4 =	vmul.u32 $0x30, v4  }
0x8d: {  	v3 =	vand.u32 $0x7, v3  }
0x8e: {  	v3 =	vor.u32 v3, v4  }
0x8f: {  	v4 =	vperm.xlane v3, v0;
	_ =	sdelay $0x1  }
0x90: {  	v4 =	vadd.s32 v1, v4;
	_ =	sdelay $0x3  }
0x91: {  	v3 =	vperm.xlane v3, v2  }
0x92: {  	[tilespmem:s28], [sflag:$0x1] =	stream.indirect_vreg.gather [hbm4b:s3+s2], $0x80, v4, vm0, $0xb8;
	[tilespmem:$0x18100] =	vst v63  }
0x93: {  	v3 =	vadd.s32 v1, v3  }
0x94: {  	[tilespmem:s29], [sflag:$0x1] =	stream.indirect_vreg.gather [hbm4b:s6+s2], $0x80, v4, vm0, $0xb8;
	[tilespmem:$0x18100] =	vst v63  }
0x95: {  	_ = 	snop  }
0x96: {  	[tilespmem:s30], [sflag:$0x1] =	stream.indirect_vreg.gather [hbm4b:s7+s2], $0x80, v4, vm0, $0xb8;
	[tilespmem:$0x18100] =	vst v63  }
0x97: {  	_ = 	snop  }
0x98: {  	[tilespmem:s31], [sflag:$0x1] =	stream.indirect_vreg.gather [hbm4b:s3+s2], $0x80, v3, vm0, $0xb8;
	[tilespmem:$0x18100] =	vst v63  }
0x99: {  	_ = 	snop  }
0x9a: {  	[tilespmem:s0], [sflag:$0x1] =	stream.indirect_vreg.gather [hbm4b:s6+s2], $0x80, v3, vm0, $0xb8;
	[tilespmem:$0x18100] =	vst v63  }
0x9b: {  	_ = 	snop  }
0x9c: {  	[tilespmem:s1], [sflag:$0x1] =	stream.indirect_vreg.gather [hbm4b:s7+s2], $0x80, v3, vm0, $0xb8;
	[tilespmem:$0x18100] =	vst v63  }
0x9d: {  	v3 =	vld [tilespmem:$0xB0];
	_ =	sdelay $0x4  }
0x9e: {  	v4 =	vshrl.u32 v3, $0x3  }
0x9f: {  	v4 =	vmul.u32 $0x30, v4  }
0xa0: {  	v3 =	vand.u32 $0x7, v3  }
0xa1: {  	v3 =	vor.u32 v3, v4  }
0xa2: {  	v4 =	vperm.xlane v3, v0;
	_ =	sdelay $0x1  }
0xa3: {  	v4 =	vadd.s32 v1, v4;
	_ =	sdelay $0x3  }
0xa4: {  	v3 =	vperm.xlane v3, v2  }
0xa5: {  	[tilespmem:s11], [sflag:$0x1] =	stream.indirect_vreg.gather [hbm4b:s3+s2], $0x80, v4, vm0, $0xb8;
	[tilespmem:$0x18100] =	vst v63  }
0xa6: {  	v3 =	vadd.s32 v1, v3  }
0xa7: {  	[tilespmem:s13], [sflag:$0x1] =	stream.indirect_vreg.gather [hbm4b:s6+s2], $0x80, v4, vm0, $0xb8;
	[tilespmem:$0x18100] =	vst v63  }
0xa8: {  	_ = 	snop  }
0xa9: {  	[tilespmem:s14], [sflag:$0x1] =	stream.indirect_vreg.gather [hbm4b:s7+s2], $0x80, v4, vm0, $0xb8;
	[tilespmem:$0x18100] =	vst v63  }
0xaa: {  	_ = 	snop  }
0xab: {  	[tilespmem:s15], [sflag:$0x1] =	stream.indirect_vreg.gather [hbm4b:s3+s2], $0x80, v3, vm0, $0xb8;
	[tilespmem:$0x18100] =	vst v63  }
0xac: {  	_ = 	snop  }
0xad: {  	[tilespmem:s16], [sflag:$0x1] =	stream.indirect_vreg.gather [hbm4b:s6+s2], $0x80, v3, vm0, $0xb8;
	[tilespmem:$0x18100] =	vst v63  }
0xae: {  	_ = 	snop  }
0xaf: {  	[tilespmem:s17], [sflag:$0x1] =	stream.indirect_vreg.gather [hbm4b:s7+s2], $0x80, v3, vm0, $0xb8;
	[tilespmem:$0x18100] =	vst v63  }
0xb0: {  	_ =	swait.ge [sflag:s18], $0xC000  }
0xb1: {  	[sflag:s18] =	ssyncset.done $0x0  }
0xb2: {  	s24 =	simm.s32 $0x0;
	[sflag:s18] =	ssyncadd.s32 $0xFFFF4000  }
0xb3: {  	s20 =	smul.u32 $0x1800, s24;
	_ =	swait.ge [sflag:s18], $0xC000  }
0xb4: {  	s21 =	sand.u32 $0x380, s2;
	[sflag:s18] =	ssyncset.done $0x0  }
0xb5: {  	s20 =	sor.u32 s21, s20;
	[sflag:s18] =	ssyncadd.s32 $0xFFFF4000  }
0xb6: {  	v12 =	vld [tilespmem:s20+$0xC100]  }
0xb7: {  	v13 =	vld [tilespmem:s20+$0xC110]  }
0xb8: {  	v14 =	vld [tilespmem:s20+$0xC120]  }
0xb9: {  	v15 =	vld [tilespmem:s20+$0xC130]  }
0xba: {  	v16 =	vld [tilespmem:s20+$0xC140]  }
0xbb: {  	v17 =	vld [tilespmem:s20+$0xC150]  }
0xbc: {  	v18 =	vld [tilespmem:s20+$0xC160]  }
0xbd: {  	v19 =	vld [tilespmem:s20+$0xC170]  }
0xbe: {  	v20 =	vld [tilespmem:s20+$0xC500]  }
0xbf: {  	v21 =	vld [tilespmem:s20+$0xC510]  }
0xc0: {  	v22 =	vld [tilespmem:s20+$0xC520]  }
0xc1: {  	v23 =	vld [tilespmem:s20+$0xC530]  }
0xc2: {  	v24 =	vld [tilespmem:s20+$0xC540]  }
0xc3: {  	v25 =	vld [tilespmem:s20+$0xC550]  }
0xc4: {  	v26 =	vld [tilespmem:s20+$0xC560]  }
0xc5: {  	v27 =	vld [tilespmem:s20+$0xC570]  }
0xc6: {  	v28 =	vld [tilespmem:s20+$0xC900]  }
0xc7: {  	v29 =	vld [tilespmem:s20+$0xC910]  }
0xc8: {  	v30 =	vld [tilespmem:s20+$0xC920]  }
0xc9: {  	v31 =	vld [tilespmem:s20+$0xC930]  }
0xca: {  	v32 =	vld [tilespmem:s20+$0xC940]  }
0xcb: {  	v33 =	vld [tilespmem:s20+$0xC950]  }
0xcc: {  	v34 =	vld [tilespmem:s20+$0xC960]  }
0xcd: {  	v35 =	vld [tilespmem:s20+$0xC970]  }
0xce: {  	v36 =	vld [tilespmem:s20+$0xCD00]  }
0xcf: {  	v37 =	vld [tilespmem:s20+$0xCD10]  }
0xd0: {  	v38 =	vld [tilespmem:s20+$0xCD20]  }
0xd1: {  	v39 =	vld [tilespmem:s20+$0xCD30]  }
0xd2: {  	v40 =	vld [tilespmem:s20+$0xCD40]  }
0xd3: {  	v41 =	vld [tilespmem:s20+$0xCD50]  }
0xd4: {  	v42 =	vld [tilespmem:s20+$0xCD60]  }
0xd5: {  	v43 =	vld [tilespmem:s20+$0xCD70]  }
0xd6: {  	v44 =	vld [tilespmem:s20+$0xD100]  }
0xd7: {  	v45 =	vld [tilespmem:s20+$0xD110]  }
0xd8: {  	v46 =	vld [tilespmem:s20+$0xD120]  }
0xd9: {  	v47 =	vld [tilespmem:s20+$0xD130]  }
0xda: {  	v48 =	vld [tilespmem:s20+$0xD140]  }
0xdb: {  	v49 =	vld [tilespmem:s20+$0xD150]  }
0xdc: {  	v50 =	vld [tilespmem:s20+$0xD160]  }
0xdd: {  	v11 =	vld [tilespmem:s20+$0xD170]  }
0xde: {  	v10 =	vld [tilespmem:s20+$0xD500]  }
0xdf: {  	v9 =	vld [tilespmem:s20+$0xD510]  }
0xe0: {  	v8 =	vld [tilespmem:s20+$0xD520]  }
0xe1: {  	v7 =	vld [tilespmem:s20+$0xD530]  }
0xe2: {  	v6 =	vld [tilespmem:s20+$0xD540]  }
0xe3: {  	v51 =	vld [tilespmem:s20+$0x100]  }
0xe4: {  	v52 =	vld [tilespmem:s20+$0x110]  }
0xe5: {  	v53 =	vld [tilespmem:s20+$0x120]  }
0xe6: {  	v54 =	vld [tilespmem:s20+$0x130]  }
0xe7: {  	v55 =	vld [tilespmem:s20+$0x140]  }
0xe8: {  	v62 =	vld [tilespmem:s20+$0x150];
	v12 =	vadd.f32 v12, v51  }
0xe9: {  	v63 =	vld [tilespmem:s20+$0x160];
	v13 =	vadd.f32 v13, v52  }
0xea: {  	[tilespmem:s20+$0x100] =	vst v12;
	v12 =	vadd.f32 v14, v53;
	v14 =	vld [tilespmem:s20+$0x170]  }
0xeb: {  	[tilespmem:s20+$0x110] =	vst v13;
	v13 =	vadd.f32 v15, v54;
	v15 =	vld [tilespmem:s20+$0x500]  }
0xec: {  	[tilespmem:s20+$0x120] =	vst v12;
	v12 =	vadd.f32 v16, v55;
	v16 =	vld [tilespmem:s20+$0x510]  }
0xed: {  	[tilespmem:s20+$0x130] =	vst v13;
	v13 =	vadd.f32 v17, v62;
	v17 =	vld [tilespmem:s20+$0x520]  }
0xee: {  	v5 =	vld [tilespmem:s20+$0xD550]  }
0xef: {  	[tilespmem:s20+$0x140] =	vst v12;
	v12 =	vadd.f32 v18, v63;
	v18 =	vld [tilespmem:s20+$0x570]  }
0xf0: {  	[tilespmem:s20+$0x150] =	vst v13;
	v13 =	vadd.f32 v19, v14;
	v14 =	vld [tilespmem:s20+$0x530]  }
0xf1: {  	[tilespmem:s20+$0x160] =	vst v12;
	v12 =	vadd.f32 v20, v15;
	v15 =	vld [tilespmem:s20+$0x540]  }
0xf2: {  	[tilespmem:s20+$0x170] =	vst v13;
	v13 =	vadd.f32 v21, v16;
	v16 =	vadd.f32 v22, v17;
	v17 =	vld [tilespmem:s20+$0x560]  }
0xf3: {  	[tilespmem:s20+$0x500] =	vst v12;
	v12 =	vld [tilespmem:s20+$0x550]  }
0xf4: {  	[tilespmem:s20+$0x510] =	vst v13;
	v13 =	vld [tilespmem:s20+$0x900];
	v18 =	vadd.f32 v27, v18  }
0xf5: {  	[tilespmem:s20+$0x520] =	vst v16;
	v16 =	vld [tilespmem:s20+$0x910];
	v14 =	vadd.f32 v23, v14  }
0xf6: {  	v4 =	vld [tilespmem:s20+$0xD560];
	v15 =	vadd.f32 v24, v15;
	[tilespmem:s20+$0x570] =	vst v18  }
0xf7: {  	[tilespmem:s20+$0x530] =	vst v14;
	v14 =	vld [tilespmem:s20+$0x920];
	v17 =	vadd.f32 v26, v17  }
0xf8: {  	v12 =	vadd.f32 v25, v12;
	[tilespmem:s20+$0x540] =	vst v15;
	v15 =	vld [tilespmem:s20+$0x930]  }
0xf9: {  	v18 =	vld [tilespmem:s20+$0x970];
	[tilespmem:s20+$0x560] =	vst v17;
	v13 =	vadd.f32 v28, v13  }
0xfa: {  	v16 =	vadd.f32 v29, v16;
	[tilespmem:s20+$0x550] =	vst v12;
	v12 =	vld [tilespmem:s20+$0x940]  }
0xfb: {  	v17 =	vld [tilespmem:s20+$0x950];
	[tilespmem:s20+$0x900] =	vst v13  }
0xfc: {  	[tilespmem:s20+$0x910] =	vst v16;
	v16 =	vld [tilespmem:s20+$0x960];
	v13 =	vadd.f32 v30, v14  }
0xfd: {  	v14 =	vld [tilespmem:s20+$0xD00];
	v15 =	vadd.f32 v31, v15  }
0xfe: {  	[tilespmem:s20+$0x920] =	vst v13;
	v13 =	vld [tilespmem:s20+$0xD10]  }
0xff: {  	v12 =	vadd.f32 v32, v12;
	[tilespmem:s20+$0x930] =	vst v15;
	v15 =	vld [tilespmem:s20+$0xD20]  }
0x100: {  	v3 =	vld [tilespmem:s20+$0xD570];
	v17 =	vadd.f32 v33, v17  }
0x101: {  	v16 =	vadd.f32 v34, v16;
	[tilespmem:s20+$0x940] =	vst v12;
	v12 =	vld [tilespmem:s20+$0xD30]  }
0x102: {  	[tilespmem:s20+$0x950] =	vst v17;
	v17 =	vld [tilespmem:s20+$0xD40];
	v14 =	vadd.f32 v36, v14  }
0x103: {  	v18 =	vadd.f32 v35, v18;
	[tilespmem:s20+$0x960] =	vst v16;
	v16 =	vld [tilespmem:s20+$0xD50]  }
0x104: {  	v13 =	vadd.f32 v37, v13;
	[tilespmem:s20+$0xD00] =	vst v14;
	v14 =	vadd.f32 v38, v15;
	v15 =	vld [tilespmem:s20+$0xD60]  }
0x105: {  	[tilespmem:s20+$0x970] =	vst v18;
	v18 =	vld [tilespmem:s20+$0xD70]  }
0x106: {  	[tilespmem:s20+$0xD10] =	vst v13;
	v13 =	vld [tilespmem:s20+$0x1100];
	v12 =	vadd.f32 v39, v12  }
0x107: {  	v17 =	vadd.f32 v40, v17;
	[tilespmem:s20+$0xD20] =	vst v14;
	v14 =	vld [tilespmem:s20+$0x1110]  }
0x108: {  	v16 =	vadd.f32 v41, v16;
	[tilespmem:s20+$0xD30] =	vst v12;
	v12 =	vld [tilespmem:s20+$0x1120]  }
0x109: {  	[tilespmem:s20+$0xD40] =	vst v17;
	v17 =	vld [tilespmem:s20+$0x1130];
	v15 =	vadd.f32 v42, v15  }
0x10a: {  	v19 =	vld [tilespmem:s20+$0x1140];
	[tilespmem:s20+$0xD50] =	vst v16;
	v16 =	vadd.f32 v43, v18  }
0x10b: {  	v18 =	vld [tilespmem:s20+$0x1150];
	v13 =	vadd.f32 v44, v13;
	[tilespmem:s20+$0xD60] =	vst v15  }
0x10c: {  	v20 =	vld [tilespmem:s20+$0x1160];
	[tilespmem:s20+$0xD70] =	vst v16;
	v14 =	vadd.f32 v45, v14  }
0x10d: {  	v16 =	vld [tilespmem:s20+$0x1170];
	[tilespmem:s20+$0x1100] =	vst v13;
	v12 =	vadd.f32 v46, v12  }
0x10e: {  	v15 =	vld [tilespmem:s20+$0x1500];
	v13 =	vadd.f32 v47, v17;
	[tilespmem:s20+$0x1110] =	vst v14  }
0x10f: {  	v14 =	vld [tilespmem:s20+$0x1510];
	[tilespmem:s20+$0x1120] =	vst v12;
	v12 =	vadd.f32 v48, v19  }
0x110: {  	[tilespmem:s20+$0x1130] =	vst v13;
	v13 =	vld [tilespmem:s20+$0x1520];
	v18 =	vadd.f32 v49, v18  }
0x111: {  	s21 =	simm.s32 $0x1;
	s22 =	simm.s32 $0x0;
	v17 =	vadd.f32 v50, v20;
	[tilespmem:s20+$0x1140] =	vst v12;
	v12 =	vld [tilespmem:s20+$0x1530]  }
.LBB2_2:
0x112: {  	s23 =	sshrl.u32 s21, $0x3;
	p0 =	sne.s32 s21, $0x3F;
	[tilespmem:s20+$0x1150] =	vst v18;
	v11 =	vadd.f32 v11, v16;
	v16 =	vld [tilespmem:s20+$0x1540]  }
0x113: {  	s22 =	sadd.s32 $0x80, s22;
	s23 =	smul.u32 $0x1800, s23;
	[tilespmem:s20+$0x1160] =	vst v17;
	v10 =	vadd.f32 v10, v15;
	v15 =	vld [tilespmem:s20+$0x1550]  }
0x114: {  	s24 =	sand.u32 $0x380, s22;
	[tilespmem:s20+$0x1170] =	vst v11;
	v9 =	vadd.f32 v9, v14;
	v11 =	vld [tilespmem:s20+$0x1560]  }
0x115: {  	s23 =	sor.u32 s24, s23;
	[tilespmem:s20+$0x1500] =	vst v10;
	v8 =	vadd.f32 v8, v13;
	v10 =	vld [tilespmem:s20+$0x1570]  }
0x116: {  	v39 =	vld [tilespmem:s23+$0xC100];
	[tilespmem:s20+$0x1510] =	vst v9;
	v7 =	vadd.f32 v7, v12  }
0x117: {  	v40 =	vld [tilespmem:s23+$0xC110];
	[tilespmem:s20+$0x1520] =	vst v8;
	v6 =	vadd.f32 v6, v16  }
0x118: {  	v41 =	vld [tilespmem:s23+$0xC120];
	[tilespmem:s20+$0x1530] =	vst v7;
	v5 =	vadd.f32 v5, v15  }
0x119: {  	v42 =	vld [tilespmem:s23+$0xC130];
	[tilespmem:s20+$0x1540] =	vst v6;
	v4 =	vadd.f32 v4, v11  }
0x11a: {  	v43 =	vld [tilespmem:s23+$0xC140];
	[tilespmem:s20+$0x1550] =	vst v5;
	v3 =	vadd.f32 v3, v10  }
0x11b: {  	v44 =	vld [tilespmem:s23+$0xC150];
	[tilespmem:s20+$0x1560] =	vst v4  }
0x11c: {  	v45 =	vld [tilespmem:s23+$0xC160];
	[tilespmem:s20+$0x1570] =	vst v3;
	s20 =	smov.u32 s23  }
0x11d: {  	v46 =	vld [tilespmem:s20+$0xC170]  }
0x11e: {  	v47 =	vld [tilespmem:s20+$0xC500]  }
0x11f: {  	v48 =	vld [tilespmem:s20+$0xC510]  }
0x120: {  	v49 =	vld [tilespmem:s20+$0xC520]  }
0x121: {  	v50 =	vld [tilespmem:s20+$0xC530]  }
0x122: {  	v38 =	vld [tilespmem:s20+$0xC540]  }
0x123: {  	v37 =	vld [tilespmem:s20+$0xC550]  }
0x124: {  	v36 =	vld [tilespmem:s20+$0xC560]  }
0x125: {  	v35 =	vld [tilespmem:s20+$0xC570]  }
0x126: {  	v34 =	vld [tilespmem:s20+$0xC900]  }
0x127: {  	v33 =	vld [tilespmem:s20+$0xC910]  }
0x128: {  	v32 =	vld [tilespmem:s20+$0xC920]  }
0x129: {  	v31 =	vld [tilespmem:s20+$0xC930]  }
0x12a: {  	v30 =	vld [tilespmem:s20+$0xC940]  }
0x12b: {  	v29 =	vld [tilespmem:s20+$0xC950]  }
0x12c: {  	v28 =	vld [tilespmem:s20+$0xC960]  }
0x12d: {  	v27 =	vld [tilespmem:s20+$0xC970]  }
0x12e: {  	v26 =	vld [tilespmem:s20+$0xCD00]  }
0x12f: {  	v25 =	vld [tilespmem:s20+$0xCD10]  }
0x130: {  	v24 =	vld [tilespmem:s20+$0xCD20]  }
0x131: {  	v23 =	vld [tilespmem:s20+$0xCD30]  }
0x132: {  	v22 =	vld [tilespmem:s20+$0xCD40]  }
0x133: {  	v21 =	vld [tilespmem:s20+$0xCD50]  }
0x134: {  	v20 =	vld [tilespmem:s20+$0xCD60]  }
0x135: {  	v19 =	vld [tilespmem:s20+$0xCD70]  }
0x136: {  	v18 =	vld [tilespmem:s20+$0xD100]  }
0x137: {  	v17 =	vld [tilespmem:s20+$0xD110]  }
0x138: {  	v16 =	vld [tilespmem:s20+$0xD120]  }
0x139: {  	v15 =	vld [tilespmem:s20+$0xD130]  }
0x13a: {  	v14 =	vld [tilespmem:s20+$0xD140]  }
0x13b: {  	v13 =	vld [tilespmem:s20+$0xD150]  }
0x13c: {  	v12 =	vld [tilespmem:s20+$0xD160]  }
0x13d: {  	v11 =	vld [tilespmem:s20+$0xD170]  }
0x13e: {  	v10 =	vld [tilespmem:s20+$0xD500]  }
0x13f: {  	v9 =	vld [tilespmem:s20+$0xD510]  }
0x140: {  	v8 =	vld [tilespmem:s20+$0xD520]  }
0x141: {  	v7 =	vld [tilespmem:s20+$0xD530]  }
0x142: {  	v6 =	vld [tilespmem:s20+$0xD540]  }
0x143: {  	v5 =	vld [tilespmem:s20+$0xD550]  }
0x144: {  	v4 =	vld [tilespmem:s20+$0xD560]  }
0x145: {  	v3 =	vld [tilespmem:s20+$0xD570]  }
0x146: {  	v51 =	vld [tilespmem:s20+$0x100]  }
0x147: {  	v52 =	vld [tilespmem:s20+$0x110]  }
0x148: {  	v53 =	vld [tilespmem:s20+$0x120]  }
0x149: {  	v54 =	vld [tilespmem:s20+$0x130]  }
0x14a: {  	v55 =	vld [tilespmem:s20+$0x140]  }
0x14b: {  	v39 =	vadd.f32 v39, v51;
	v51 =	vld [tilespmem:s20+$0x150]  }
0x14c: {  	v40 =	vadd.f32 v40, v52;
	v52 =	vld [tilespmem:s20+$0x160]  }
0x14d: {  	[tilespmem:s20+$0x100] =	vst v39;
	v39 =	vadd.f32 v41, v53;
	v41 =	vld [tilespmem:s20+$0x170]  }
0x14e: {  	[tilespmem:s20+$0x110] =	vst v40;
	v40 =	vadd.f32 v42, v54;
	v42 =	vld [tilespmem:s20+$0x500]  }
0x14f: {  	[tilespmem:s20+$0x120] =	vst v39;
	v39 =	vadd.f32 v43, v55;
	v43 =	vld [tilespmem:s20+$0x510]  }
0x150: {  	[tilespmem:s20+$0x130] =	vst v40;
	v40 =	vadd.f32 v44, v51;
	v44 =	vld [tilespmem:s20+$0x520]  }
0x151: {  	[tilespmem:s20+$0x140] =	vst v39;
	v39 =	vadd.f32 v45, v52;
	v45 =	vld [tilespmem:s20+$0x530]  }
0x152: {  	[tilespmem:s20+$0x150] =	vst v40;
	v40 =	vadd.f32 v46, v41;
	v41 =	vld [tilespmem:s20+$0x540]  }
0x153: {  	[tilespmem:s20+$0x160] =	vst v39;
	v39 =	vadd.f32 v47, v42;
	v42 =	vld [tilespmem:s20+$0x550]  }
0x154: {  	[tilespmem:s20+$0x170] =	vst v40;
	v40 =	vadd.f32 v48, v43;
	v43 =	vld [tilespmem:s20+$0x560]  }
0x155: {  	[tilespmem:s20+$0x500] =	vst v39;
	v39 =	vadd.f32 v49, v44;
	v44 =	vld [tilespmem:s20+$0x570]  }
0x156: {  	[tilespmem:s20+$0x510] =	vst v40;
	v40 =	vadd.f32 v50, v45;
	v45 =	vld [tilespmem:s20+$0x900]  }
0x157: {  	[tilespmem:s20+$0x520] =	vst v39;
	v38 =	vadd.f32 v38, v41;
	v39 =	vld [tilespmem:s20+$0x910]  }
0x158: {  	[tilespmem:s20+$0x530] =	vst v40;
	v37 =	vadd.f32 v37, v42;
	v40 =	vld [tilespmem:s20+$0x920]  }
0x159: {  	[tilespmem:s20+$0x540] =	vst v38;
	v36 =	vadd.f32 v36, v43;
	v38 =	vld [tilespmem:s20+$0x930]  }
0x15a: {  	[tilespmem:s20+$0x550] =	vst v37;
	v35 =	vadd.f32 v35, v44;
	v37 =	vld [tilespmem:s20+$0x940]  }
0x15b: {  	[tilespmem:s20+$0x560] =	vst v36;
	v34 =	vadd.f32 v34, v45;
	v36 =	vld [tilespmem:s20+$0x950]  }
0x15c: {  	[tilespmem:s20+$0x570] =	vst v35;
	v33 =	vadd.f32 v33, v39;
	v35 =	vld [tilespmem:s20+$0x960]  }
0x15d: {  	[tilespmem:s20+$0x900] =	vst v34;
	v32 =	vadd.f32 v32, v40;
	v34 =	vld [tilespmem:s20+$0x970]  }
0x15e: {  	[tilespmem:s20+$0x910] =	vst v33;
	v31 =	vadd.f32 v31, v38;
	v33 =	vld [tilespmem:s20+$0xD00]  }
0x15f: {  	[tilespmem:s20+$0x920] =	vst v32;
	v30 =	vadd.f32 v30, v37;
	v32 =	vld [tilespmem:s20+$0xD10]  }
0x160: {  	[tilespmem:s20+$0x930] =	vst v31;
	v29 =	vadd.f32 v29, v36;
	v31 =	vld [tilespmem:s20+$0xD20]  }
0x161: {  	[tilespmem:s20+$0x940] =	vst v30;
	v28 =	vadd.f32 v28, v35;
	v30 =	vld [tilespmem:s20+$0xD30]  }
0x162: {  	[tilespmem:s20+$0x950] =	vst v29;
	v27 =	vadd.f32 v27, v34;
	v29 =	vld [tilespmem:s20+$0xD40]  }
0x163: {  	[tilespmem:s20+$0x960] =	vst v28;
	v26 =	vadd.f32 v26, v33;
	v28 =	vld [tilespmem:s20+$0xD50]  }
0x164: {  	[tilespmem:s20+$0x970] =	vst v27;
	v25 =	vadd.f32 v25, v32;
	v27 =	vld [tilespmem:s20+$0xD60]  }
0x165: {  	[tilespmem:s20+$0xD00] =	vst v26;
	v24 =	vadd.f32 v24, v31;
	v26 =	vld [tilespmem:s20+$0xD70]  }
0x166: {  	[tilespmem:s20+$0xD10] =	vst v25;
	v23 =	vadd.f32 v23, v30;
	v25 =	vld [tilespmem:s20+$0x1100]  }
0x167: {  	[tilespmem:s20+$0xD20] =	vst v24;
	v22 =	vadd.f32 v22, v29;
	v24 =	vld [tilespmem:s20+$0x1110]  }
0x168: {  	[tilespmem:s20+$0xD30] =	vst v23;
	v21 =	vadd.f32 v21, v28;
	v23 =	vld [tilespmem:s20+$0x1120]  }
0x169: {  	[tilespmem:s20+$0xD40] =	vst v22;
	v20 =	vadd.f32 v20, v27;
	v22 =	vld [tilespmem:s20+$0x1130]  }
0x16a: {  	[tilespmem:s20+$0xD50] =	vst v21;
	v19 =	vadd.f32 v19, v26;
	v21 =	vld [tilespmem:s20+$0x1140]  }
0x16b: {  	[tilespmem:s20+$0xD60] =	vst v20;
	v18 =	vadd.f32 v18, v25;
	v20 =	vld [tilespmem:s20+$0x1150]  }
0x16c: {  	[tilespmem:s20+$0xD70] =	vst v19;
	v17 =	vadd.f32 v17, v24;
	v19 =	vld [tilespmem:s20+$0x1160]  }
.Ltmp0:
0x16d: {  	[tilespmem:s20+$0x1100] =	vst v18;
	v18 =	vadd.f32 v16, v23;
	v16 =	vld [tilespmem:s20+$0x1170];
	(pc) =	sbr.rel @p0 .LBB2_2-.Ltmp0, $4  }
0x16e: {  	[tilespmem:s20+$0x1110] =	vst v17;
	v17 =	vadd.f32 v15, v22;
	v15 =	vld [tilespmem:s20+$0x1500]  }
0x16f: {  	[tilespmem:s20+$0x1120] =	vst v18;
	v21 =	vadd.f32 v14, v21;
	v14 =	vld [tilespmem:s20+$0x1510]  }
0x170: {  	[tilespmem:s20+$0x1130] =	vst v17;
	v18 =	vadd.f32 v13, v20;
	v13 =	vld [tilespmem:s20+$0x1520]  }
0x171: {  	s21 =	sadd.s32 $0x1, s21;
	[tilespmem:s20+$0x1140] =	vst v21;
	v17 =	vadd.f32 v12, v19;
	v12 =	vld [tilespmem:s20+$0x1530]  }
0x172: {  	[tilespmem:s20+$0x1150] =	vst v18;
	v60 =	vld [tilespmem:s20+$0x1540];
	v11 =	vadd.f32 v11, v16  }
0x173: {  	v61 =	vld [tilespmem:s20+$0x1550];
	[tilespmem:s20+$0x1160] =	vst v17;
	v10 =	vadd.f32 v10, v15  }
0x174: {  	v62 =	vld [tilespmem:s20+$0x1560];
	[tilespmem:s20+$0x1170] =	vst v11;
	v9 =	vadd.f32 v9, v14  }
0x175: {  	v63 =	vld [tilespmem:s20+$0x1570];
	[tilespmem:s20+$0x1500] =	vst v10;
	v8 =	vadd.f32 v8, v13  }
0x176: {  	[tilespmem:s20+$0x1510] =	vst v9;
	v7 =	vadd.f32 v7, v12  }
0x177: {  	[tilespmem:s20+$0x1520] =	vst v8;
	v6 =	vadd.f32 v6, v60  }
0x178: {  	v5 =	vadd.f32 v5, v61;
	[tilespmem:s20+$0x1530] =	vst v7  }
0x179: {  	v4 =	vadd.f32 v4, v62;
	[tilespmem:s20+$0x1540] =	vst v6  }
0x17a: {  	s19 =	sadd.s32 $0x1, s19;
	v3 =	vadd.f32 v3, v63;
	[tilespmem:s20+$0x1550] =	vst v5  }
0x17b: {  	p0 =	sne.s32 s19, s9;
	[tilespmem:s20+$0x1560] =	vst v4  }
.Ltmp1:
0x17c: {  	[tilespmem:s20+$0x1570] =	vst v3;
	(pc) =	sbr.rel @p0 .LBB2_1-.Ltmp1, $4  }
0x17d: {  	[hbm4b:s8+s2] =	stream.linear.scatter [tilespmem:s12], [sflag:$0x2], $0xC000, $0x38;
	[tilespmem:$0x18100] =	vst v63  }
0x17e: {  	_ =	swait.ge [sflag:s10], $0xC000  }
0x17f: {  	[sflag:s10] =	ssyncset.done $0x0  }
0x180: {  	[sflag:s10] =	ssyncadd.s32 $0xFFFF4000  }
0x181: {  	_ =	sfence.sel $0x180000  }
0x182: {  	[bflag:$0x0] =	sbarrier.arrive $0xFFFF  }
0x183: {  	_ =	strace $0x9000004A  }
0x184: {  	s0 =	stileid.u32;
	[bflag:$0x2] =	sbarrier.arrive $0xFFFF  }
0x185: {  	p0 =	sne.s32 s0, $0x0;
	s0 =	rddreg [dreg:$0x2]  }
0x186: {  	s0 =	sadd.s32 @!p0 $0x100000, s0  }
0x187: {  	[sflag:s0] =	ssyncadd.tile.s32 @!p0 $0x1;
	_ =	shalt  }
.Lfunc_end2:
_tile_overlayer_lowered:
.L_overlay_start_2:
0x188: {  	(tag) =	ssettag $0x2  }
0x189: {  	s0 =	rddreg [dreg:$0x0];
	s2 =	stileid.u32  }
0x18a: {  	s1 =	rddreg [dreg:$0x1];
	p0 =	sne.s32 s2, $0x0  }
0x18b: {  	s3 =	rddreg [dreg:$0x2];
	[bflag:$0x3] =	sbarrier.arrive $0xFFFF;
	s2 =	simm.s32 @!p0 $0x1C02  }
0x18c: {  	[timem:s3], [sflag:s2] =	dma.local @!p0 [hbm:s0], s1  }
0x18d: {  	s0 =	simm.s32 @!p0 $0x2  }
0x18e: {  	_ =	swait.ge @!p0 [sflag:s0], s1  }
0x18f: {  	s1 =	ssub.s32 @!p0 $0x0, s1;
	[sflag:s0] =	ssyncset.done @!p0 $0x0  }
0x190: {  	[sflag:s0] =	ssyncadd.s32 @!p0 s1  }
0x191: {  	[bflag:$0x3] =	sbarrier.arrive $0xFFFF  }
0x192: {  	_ =	shalt  }

</sc_bundles>
